<compile_context>
chip_gen: v7x
topology: tpu7x:2x2x1
jax: 0.10.2.dev20260603
libtpu: 0.0.44.dev20260713+nightly
codegen_flags: <defaults>
</compile_context>

<pallas_src>
import functools

import jax
import jax.numpy as jnp
from jax import lax
from jax.experimental import pallas as pl
from jax.experimental.pallas import tpu as pltpu, tpu_sc as plsc

VOCAB = 1000000
DIM = 64
BATCH = 4096
SEQ = 50

_INFO = plsc.get_sparse_core_info()
NC, NS = _INFO.num_cores, _INFO.num_subcores
NW = NC * NS
TOTAL = BATCH * SEQ
PER_W = TOTAL // NW
CHUNK = 128
NCHUNK = PER_W // CHUNK
NBUF = 10


def _prep_idx(ids):
    it = ids.T

    def body(x_ref, o_ref):
        o_ref[...] = x_ref[...].reshape(NW * NCHUNK, CHUNK) * 2

    out = pl.pallas_call(
        body,
        out_shape=jax.ShapeDtypeStruct((NW * NCHUNK, CHUNK), jnp.int32),
    )(it)
    return out.reshape(NW, NCHUNK, CHUNK)


def _make_gather():
    mesh = plsc.VectorSubcoreMesh(core_axis_name="c", subcore_axis_name="s")

    @functools.partial(
        pl.kernel,
        mesh=mesh,
        out_type=[
            jax.ShapeDtypeStruct((TOTAL, DIM), jnp.float32),
            jax.ShapeDtypeStruct((TOTAL, DIM), jnp.float32),
        ],
        scratch_types=[
            pltpu.VMEM((NCHUNK, CHUNK), jnp.int32),
            pltpu.VMEM((NBUF, CHUNK, DIM), jnp.float32),
            pltpu.SemaphoreType.DMA,
        ],
        compiler_params=pltpu.CompilerParams(use_tc_tiling_on_sc=False),
    )
    def k(table_hbm, pidx_hbm, hidx_hbm, p_out, h_out, idx_v, rows_v, sem):
        wid = lax.axis_index("s") * NC + lax.axis_index("c")
        base = wid * PER_W
        for idx_hbm, out_hbm in ((pidx_hbm, p_out), (hidx_hbm, h_out)):
            pltpu.sync_copy(idx_hbm.at[wid], idx_v)

            def prime(b, carry):
                pltpu.async_copy(table_hbm.at[idx_v.at[b]], rows_v.at[b], sem)
                return carry

            lax.fori_loop(0, NBUF, prime, 0)

            def chunk_body(j, carry, out_hbm=out_hbm):
                b = lax.rem(j, NBUF)
                pltpu.make_async_copy(
                    table_hbm.at[idx_v.at[0]], rows_v.at[0], sem
                ).wait()
                pltpu.sync_copy(
                    rows_v.at[b], out_hbm.at[pl.ds(base + j * CHUNK, CHUNK)]
                )

                @pl.when(j + NBUF < NCHUNK)
                def _():
                    pltpu.async_copy(
                        table_hbm.at[idx_v.at[j + NBUF]], rows_v.at[b], sem
                    )

                return carry

            lax.fori_loop(0, NCHUNK, chunk_body, 0)

    return k


_gather = _make_gather()


def kernel(premise, hypothesis, word_emb):
    table_lin = jnp.pad(word_emb, ((0, 0), (0, DIM))).reshape(2 * VOCAB, DIM)
    pidx = _prep_idx(premise)
    hidx = _prep_idx(hypothesis)
    p_rows, h_rows = _gather(table_lin, pidx, hidx)
    p = p_rows.reshape(SEQ, BATCH, DIM).transpose((1, 0, 2))
    h = h_rows.reshape(SEQ, BATCH, DIM).transpose((1, 0, 2))
    return (p, h)

# --- scband reference (transcript-rebuilt; emitter-appended) ---
"""Pipeline reference for scband-bi-blo-sa-30073361006749 (READ-ONLY COPY).

The authoritative reference and input builder live on the scoring server;
editing this copy changes nothing except your own understanding.
"""

import jax, jax.numpy as jnp
import numpy as np

VOCAB = 1000000
DIM = 64
BATCH = 4096
SEQ = 50


def setup_inputs(seed: int = 0) -> dict:
    key = jax.random.key(seed)
    k1, k2, k3 = jax.random.split(key, 3)
    premise = jax.random.randint(k1, (BATCH, SEQ), 0, VOCAB, dtype=jnp.int64 if jax.config.jax_enable_x64 else jnp.int32).astype(jnp.int32)
    hypothesis = jax.random.randint(k2, (BATCH, SEQ), 0, VOCAB, dtype=jnp.int32)
    word_emb = jax.random.normal(k3, (VOCAB, DIM), dtype=jnp.float32) * 0.02
    return {"premise": premise, "hypothesis": hypothesis, "word_emb": word_emb}


def reference(premise, hypothesis, word_emb):
    # Faithful translation of BiBloSA.forward: two embedding lookups
    # p = self.word_emb(batch.premise); h = self.word_emb(batch.hypothesis)
    p = jnp.take(word_emb, premise, axis=0)
    h = jnp.take(word_emb, hypothesis, axis=0)
    return (p, h)

if __name__ == "__main__":
    import jax
    _d = setup_inputs()
    print(jax.jit(kernel)(*tuple(_d.values())))

</pallas_src>

<mosaic_0001>
#map = affine_map<(d0, d1) -> (0, 0)>
#map1 = affine_map<(d0, d1) -> (0, 0, 0)>
module attributes {stable_mosaic.version = 14 : i64} {
  func.func @k(%arg0: i32, %arg1: i32, %arg2: memref<2000000x64xf32, #tpu.memory_space<hbm>>, %arg3: memref<32x50x128xi32, #tpu.memory_space<hbm>>, %arg4: memref<32x50x128xi32, #tpu.memory_space<hbm>>, %arg5: memref<204800x64xf32, #tpu.memory_space<hbm>>, %arg6: memref<204800x64xf32, #tpu.memory_space<hbm>>, %arg7: memref<50x128xi32, #tpu.memory_space<vmem>>, %arg8: memref<10x128x64xf32, #tpu.memory_space<vmem>>, %arg9: memref<!tpu.dma_semaphore, #tpu.memory_space<semaphore_mem>>) attributes {dimension_semantics = [#tpu.dimension_semantics<core_parallel>, #tpu.dimension_semantics<subcore_parallel>], iteration_bounds = array<i64: 2, 16>, scalar_prefetch = 0 : i64, scratch_operands = 3 : i64, tpu.core_type = #tpu.core_type<sc_vector_subcore>, window_params = [{transform_indices = #map}, {transform_indices = #map1}, {transform_indices = #map1}, {transform_indices = #map}, {transform_indices = #map}]} {
    %mul3A = arith.constant 2 : i32
    %mul3A_0 = arith.muli %arg1, %mul3A : i32
    %add3A = arith.addi %mul3A_0, %arg0 : i32
    %mul3A_1 = arith.constant 6400 : i32
    %mul3A_2 = arith.muli %add3A, %mul3A_1 : i32
    "tpu.region"() ({
      %run_scoped3A = tpu.sem_alloc : memref<!tpu.dma_semaphore, #tpu.memory_space<semaphore_mem>>
      %dma_start3A = arith.constant 0 : i32
      %dma_start3A_26 = arith.constant 0 : i32
      %dma_start3A_27 = tpu.memref_slice %arg3[%add3A, %dma_start3A, %dma_start3A_26] : memref<32x50x128xi32, #tpu.memory_space<hbm>> -> memref<1x50x128xi32, #tpu.memory_space<hbm>>
      %dma_start3A_28 = tpu.memref_squeeze %dma_start3A_27 : memref<1x50x128xi32, #tpu.memory_space<hbm>> -> memref<50x128xi32, #tpu.memory_space<hbm>>
      %dma_start3A_29 = arith.constant 0 : i32
      %dma_start3A_30 = arith.constant 0 : i32
      %dma_start3A_31 = tpu.memref_slice %arg3[%add3A, %dma_start3A_29, %dma_start3A_30] : memref<32x50x128xi32, #tpu.memory_space<hbm>> -> memref<1x50x128xi32, #tpu.memory_space<hbm>>
      %dma_start3A_32 = tpu.memref_squeeze %dma_start3A_31 : memref<1x50x128xi32, #tpu.memory_space<hbm>> -> memref<50x128xi32, #tpu.memory_space<hbm>>
      tpu.enqueue_dma source(%dma_start3A_32 : memref<50x128xi32, #tpu.memory_space<hbm>>) target(%arg7 : memref<50x128xi32, #tpu.memory_space<vmem>>) target_semaphore(%run_scoped3A : memref<!tpu.dma_semaphore, #tpu.memory_space<semaphore_mem>>)
      %dma_wait3A = arith.constant 0 : i32
      %dma_wait3A_33 = arith.constant 0 : i32
      %dma_wait3A_34 = tpu.memref_slice %arg3[%add3A, %dma_wait3A, %dma_wait3A_33] : memref<32x50x128xi32, #tpu.memory_space<hbm>> -> memref<1x50x128xi32, #tpu.memory_space<hbm>>
      %dma_wait3A_35 = tpu.memref_squeeze %dma_wait3A_34 : memref<1x50x128xi32, #tpu.memory_space<hbm>> -> memref<50x128xi32, #tpu.memory_space<hbm>>
      %dma_wait3A_36 = arith.constant 0 : i32
      %dma_wait3A_37 = arith.constant 0 : i32
      %dma_wait3A_38 = tpu.memref_slice %arg3[%add3A, %dma_wait3A_36, %dma_wait3A_37] : memref<32x50x128xi32, #tpu.memory_space<hbm>> -> memref<1x50x128xi32, #tpu.memory_space<hbm>>
      %dma_wait3A_39 = tpu.memref_squeeze %dma_wait3A_38 : memref<1x50x128xi32, #tpu.memory_space<hbm>> -> memref<50x128xi32, #tpu.memory_space<hbm>>
      tpu.wait_dma2 semaphore(%run_scoped3A : memref<!tpu.dma_semaphore, #tpu.memory_space<semaphore_mem>>) src(%dma_wait3A_39 : memref<50x128xi32, #tpu.memory_space<hbm>>) dst(%arg7 : memref<50x128xi32, #tpu.memory_space<vmem>>)
      tpu.yield
    }) : () -> ()
    %scan3A = arith.constant 0 : i32
    %scan3A_3 = arith.constant 0 : i32
    %scan3A_4 = arith.constant 10 : i32
    %scan3A_5 = arith.addi %scan3A_3, %scan3A_4 : i32
    %scan3A_6 = arith.constant 1 : i32
    scf.for %scan3A_26 = %scan3A_3 to %scan3A_5 step %scan3A_6  : i32 {
      %dma_start3A = arith.constant 0 : i32
      %dma_start3A_27 = arith.constant 0 : i32
      %dma_start3A_28 = tpu.memref_slice %arg8[%scan3A_26, %dma_start3A, %dma_start3A_27] : memref<10x128x64xf32, #tpu.memory_space<vmem>> -> memref<1x128x64xf32, #tpu.memory_space<vmem>>
      %dma_start3A_29 = tpu.memref_squeeze %dma_start3A_28 : memref<1x128x64xf32, #tpu.memory_space<vmem>> -> memref<128x64xf32, #tpu.memory_space<vmem>>
      %dma_start3A_30 = arith.constant 0 : i32
      %dma_start3A_31 = tpu.memref_slice %arg7[%scan3A_26, %dma_start3A_30] : memref<50x128xi32, #tpu.memory_space<vmem>> -> memref<1x128xi32, #tpu.memory_space<vmem>>
      %dma_start3A_32 = tpu.memref_squeeze %dma_start3A_31 : memref<1x128xi32, #tpu.memory_space<vmem>> -> memref<128xi32, #tpu.memory_space<vmem>>
      %dma_start3A_33 = arith.constant 0 : i32
      %dma_start3A_34 = arith.constant 0 : i32
      %dma_start3A_35 = tpu.memref_slice %arg2[%dma_start3A_33, %dma_start3A_34] : memref<2000000x64xf32, #tpu.memory_space<hbm>> -> memref<2000000x64xf32, #tpu.memory_space<hbm>>
      tpu.enqueue_indirect_dma source(%dma_start3A_35 : memref<2000000x64xf32, #tpu.memory_space<hbm>>) target(%dma_start3A_29 : memref<128x64xf32, #tpu.memory_space<vmem>>) offsets(%dma_start3A_32 : memref<128xi32, #tpu.memory_space<vmem>>) semaphore(%arg9 : memref<!tpu.dma_semaphore, #tpu.memory_space<semaphore_mem>>)
    }
    %scan3A_7 = arith.constant 10 : i32
    %scan3A_8 = arith.constant 0 : i32
    %scan3A_9 = arith.constant 0 : i32
    %scan3A_10 = arith.constant 50 : i32
    %scan3A_11 = arith.addi %scan3A_9, %scan3A_10 : i32
    %scan3A_12 = arith.constant 1 : i32
    scf.for %scan3A_26 = %scan3A_9 to %scan3A_11 step %scan3A_12  : i32 {
      %rem3A = arith.constant 10 : i32
      %rem3A_27 = arith.remsi %scan3A_26, %rem3A : i32
      %dma_wait3A = arith.constant 0 : i32
      %dma_wait3A_28 = arith.constant 0 : i32
      %dma_wait3A_29 = arith.constant 0 : i32
      %dma_wait3A_30 = arith.constant 0 : i32
      %dma_wait3A_31 = tpu.memref_slice %arg8[%dma_wait3A_28, %dma_wait3A_29, %dma_wait3A_30] : memref<10x128x64xf32, #tpu.memory_space<vmem>> -> memref<1x128x64xf32, #tpu.memory_space<vmem>>
      %dma_wait3A_32 = tpu.memref_squeeze %dma_wait3A_31 : memref<1x128x64xf32, #tpu.memory_space<vmem>> -> memref<128x64xf32, #tpu.memory_space<vmem>>
      %dma_wait3A_33 = arith.constant 0 : i32
      %dma_wait3A_34 = tpu.memref_slice %arg7[%dma_wait3A, %dma_wait3A_33] : memref<50x128xi32, #tpu.memory_space<vmem>> -> memref<1x128xi32, #tpu.memory_space<vmem>>
      %dma_wait3A_35 = tpu.memref_squeeze %dma_wait3A_34 : memref<1x128xi32, #tpu.memory_space<vmem>> -> memref<128xi32, #tpu.memory_space<vmem>>
      %dma_wait3A_36 = arith.constant 0 : i32
      %dma_wait3A_37 = arith.constant 0 : i32
      %dma_wait3A_38 = tpu.memref_slice %arg2[%dma_wait3A_36, %dma_wait3A_37] : memref<2000000x64xf32, #tpu.memory_space<hbm>> -> memref<2000000x64xf32, #tpu.memory_space<hbm>>
      tpu.wait_indirect_dma semaphore(%arg9 : memref<!tpu.dma_semaphore, #tpu.memory_space<semaphore_mem>>) src(%dma_wait3A_38 : memref<2000000x64xf32, #tpu.memory_space<hbm>>) dst(%dma_wait3A_32 : memref<128x64xf32, #tpu.memory_space<vmem>>)
      %mul3A_39 = arith.constant 128 : i32
      %mul3A_40 = arith.muli %scan3A_26, %mul3A_39 : i32
      %add3A_41 = arith.addi %mul3A_2, %mul3A_40 : i32
      "tpu.region"() ({
        %run_scoped3A = tpu.sem_alloc : memref<!tpu.dma_semaphore, #tpu.memory_space<semaphore_mem>>
        %dma_start3A = arith.constant 0 : i32
        %dma_start3A_46 = arith.constant 0 : i32
        %dma_start3A_47 = tpu.memref_slice %arg8[%rem3A_27, %dma_start3A, %dma_start3A_46] : memref<10x128x64xf32, #tpu.memory_space<vmem>> -> memref<1x128x64xf32, #tpu.memory_space<vmem>>
        %dma_start3A_48 = tpu.memref_squeeze %dma_start3A_47 : memref<1x128x64xf32, #tpu.memory_space<vmem>> -> memref<128x64xf32, #tpu.memory_space<vmem>>
        %dma_start3A_49 = arith.constant 0 : i32
        %dma_start3A_50 = tpu.memref_slice %arg5[%add3A_41, %dma_start3A_49] : memref<204800x64xf32, #tpu.memory_space<hbm>> -> memref<128x64xf32, #tpu.memory_space<hbm>>
        %dma_start3A_51 = arith.constant 0 : i32
        %dma_start3A_52 = tpu.memref_slice %arg5[%add3A_41, %dma_start3A_51] : memref<204800x64xf32, #tpu.memory_space<hbm>> -> memref<128x64xf32, #tpu.memory_space<hbm>>
        %dma_start3A_53 = arith.constant 0 : i32
        %dma_start3A_54 = arith.constant 0 : i32
        %dma_start3A_55 = tpu.memref_slice %arg8[%rem3A_27, %dma_start3A_53, %dma_start3A_54] : memref<10x128x64xf32, #tpu.memory_space<vmem>> -> memref<1x128x64xf32, #tpu.memory_space<vmem>>
        %dma_start3A_56 = tpu.memref_squeeze %dma_start3A_55 : memref<1x128x64xf32, #tpu.memory_space<vmem>> -> memref<128x64xf32, #tpu.memory_space<vmem>>
        tpu.enqueue_dma source(%dma_start3A_56 : memref<128x64xf32, #tpu.memory_space<vmem>>) target(%dma_start3A_52 : memref<128x64xf32, #tpu.memory_space<hbm>>) target_semaphore(%run_scoped3A : memref<!tpu.dma_semaphore, #tpu.memory_space<semaphore_mem>>)
        %dma_wait3A_57 = arith.constant 0 : i32
        %dma_wait3A_58 = arith.constant 0 : i32
        %dma_wait3A_59 = tpu.memref_slice %arg8[%rem3A_27, %dma_wait3A_57, %dma_wait3A_58] : memref<10x128x64xf32, #tpu.memory_space<vmem>> -> memref<1x128x64xf32, #tpu.memory_space<vmem>>
        %dma_wait3A_60 = tpu.memref_squeeze %dma_wait3A_59 : memref<1x128x64xf32, #tpu.memory_space<vmem>> -> memref<128x64xf32, #tpu.memory_space<vmem>>
        %dma_wait3A_61 = arith.constant 0 : i32
        %dma_wait3A_62 = tpu.memref_slice %arg5[%add3A_41, %dma_wait3A_61] : memref<204800x64xf32, #tpu.memory_space<hbm>> -> memref<128x64xf32, #tpu.memory_space<hbm>>
        %dma_wait3A_63 = arith.constant 0 : i32
        %dma_wait3A_64 = tpu.memref_slice %arg5[%add3A_41, %dma_wait3A_63] : memref<204800x64xf32, #tpu.memory_space<hbm>> -> memref<128x64xf32, #tpu.memory_space<hbm>>
        %dma_wait3A_65 = arith.constant 0 : i32
        %dma_wait3A_66 = arith.constant 0 : i32
        %dma_wait3A_67 = tpu.memref_slice %arg8[%rem3A_27, %dma_wait3A_65, %dma_wait3A_66] : memref<10x128x64xf32, #tpu.memory_space<vmem>> -> memref<1x128x64xf32, #tpu.memory_space<vmem>>
        %dma_wait3A_68 = tpu.memref_squeeze %dma_wait3A_67 : memref<1x128x64xf32, #tpu.memory_space<vmem>> -> memref<128x64xf32, #tpu.memory_space<vmem>>
        tpu.wait_dma2 semaphore(%run_scoped3A : memref<!tpu.dma_semaphore, #tpu.memory_space<semaphore_mem>>) src(%dma_wait3A_68 : memref<128x64xf32, #tpu.memory_space<vmem>>) dst(%dma_wait3A_64 : memref<128x64xf32, #tpu.memory_space<hbm>>)
        tpu.yield
      }) : () -> ()
      %add3A_42 = arith.constant 10 : i32
      %add3A_43 = arith.addi %scan3A_26, %add3A_42 : i32
      %lt3A = arith.constant 50 : i32
      %lt3A_44 = arith.cmpi slt, %add3A_43, %lt3A : i32
      %convert_element_type3A = arith.extui %lt3A_44 : i1 to i32
      %cond3A = arith.constant 0 : i32
      %cond3A_45 = arith.cmpi ne, %convert_element_type3A, %cond3A : i32
      scf.if %cond3A_45 {
        %add3A_46 = arith.constant 10 : i32
        %add3A_47 = arith.addi %scan3A_26, %add3A_46 : i32
        %dma_start3A = arith.constant 0 : i32
        %dma_start3A_48 = arith.constant 0 : i32
        %dma_start3A_49 = tpu.memref_slice %arg8[%rem3A_27, %dma_start3A, %dma_start3A_48] : memref<10x128x64xf32, #tpu.memory_space<vmem>> -> memref<1x128x64xf32, #tpu.memory_space<vmem>>
        %dma_start3A_50 = tpu.memref_squeeze %dma_start3A_49 : memref<1x128x64xf32, #tpu.memory_space<vmem>> -> memref<128x64xf32, #tpu.memory_space<vmem>>
        %dma_start3A_51 = arith.constant 0 : i32
        %dma_start3A_52 = tpu.memref_slice %arg7[%add3A_47, %dma_start3A_51] : memref<50x128xi32, #tpu.memory_space<vmem>> -> memref<1x128xi32, #tpu.memory_space<vmem>>
        %dma_start3A_53 = tpu.memref_squeeze %dma_start3A_52 : memref<1x128xi32, #tpu.memory_space<vmem>> -> memref<128xi32, #tpu.memory_space<vmem>>
        %dma_start3A_54 = arith.constant 0 : i32
        %dma_start3A_55 = arith.constant 0 : i32
        %dma_start3A_56 = tpu.memref_slice %arg2[%dma_start3A_54, %dma_start3A_55] : memref<2000000x64xf32, #tpu.memory_space<hbm>> -> memref<2000000x64xf32, #tpu.memory_space<hbm>>
        tpu.enqueue_indirect_dma source(%dma_start3A_56 : memref<2000000x64xf32, #tpu.memory_space<hbm>>) target(%dma_start3A_50 : memref<128x64xf32, #tpu.memory_space<vmem>>) offsets(%dma_start3A_53 : memref<128xi32, #tpu.memory_space<vmem>>) semaphore(%arg9 : memref<!tpu.dma_semaphore, #tpu.memory_space<semaphore_mem>>)
      } else {
      }
    }
    %scan3A_13 = arith.constant 50 : i32
    "tpu.region"() ({
      %run_scoped3A = tpu.sem_alloc : memref<!tpu.dma_semaphore, #tpu.memory_space<semaphore_mem>>
      %dma_start3A = arith.constant 0 : i32
      %dma_start3A_26 = arith.constant 0 : i32
      %dma_start3A_27 = tpu.memref_slice %arg4[%add3A, %dma_start3A, %dma_start3A_26] : memref<32x50x128xi32, #tpu.memory_space<hbm>> -> memref<1x50x128xi32, #tpu.memory_space<hbm>>
      %dma_start3A_28 = tpu.memref_squeeze %dma_start3A_27 : memref<1x50x128xi32, #tpu.memory_space<hbm>> -> memref<50x128xi32, #tpu.memory_space<hbm>>
      %dma_start3A_29 = arith.constant 0 : i32
      %dma_start3A_30 = arith.constant 0 : i32
      %dma_start3A_31 = tpu.memref_slice %arg4[%add3A, %dma_start3A_29, %dma_start3A_30] : memref<32x50x128xi32, #tpu.memory_space<hbm>> -> memref<1x50x128xi32, #tpu.memory_space<hbm>>
      %dma_start3A_32 = tpu.memref_squeeze %dma_start3A_31 : memref<1x50x128xi32, #tpu.memory_space<hbm>> -> memref<50x128xi32, #tpu.memory_space<hbm>>
      tpu.enqueue_dma source(%dma_start3A_32 : memref<50x128xi32, #tpu.memory_space<hbm>>) target(%arg7 : memref<50x128xi32, #tpu.memory_space<vmem>>) target_semaphore(%run_scoped3A : memref<!tpu.dma_semaphore, #tpu.memory_space<semaphore_mem>>)
      %dma_wait3A = arith.constant 0 : i32
      %dma_wait3A_33 = arith.constant 0 : i32
      %dma_wait3A_34 = tpu.memref_slice %arg4[%add3A, %dma_wait3A, %dma_wait3A_33] : memref<32x50x128xi32, #tpu.memory_space<hbm>> -> memref<1x50x128xi32, #tpu.memory_space<hbm>>
      %dma_wait3A_35 = tpu.memref_squeeze %dma_wait3A_34 : memref<1x50x128xi32, #tpu.memory_space<hbm>> -> memref<50x128xi32, #tpu.memory_space<hbm>>
      %dma_wait3A_36 = arith.constant 0 : i32
      %dma_wait3A_37 = arith.constant 0 : i32
      %dma_wait3A_38 = tpu.memref_slice %arg4[%add3A, %dma_wait3A_36, %dma_wait3A_37] : memref<32x50x128xi32, #tpu.memory_space<hbm>> -> memref<1x50x128xi32, #tpu.memory_space<hbm>>
      %dma_wait3A_39 = tpu.memref_squeeze %dma_wait3A_38 : memref<1x50x128xi32, #tpu.memory_space<hbm>> -> memref<50x128xi32, #tpu.memory_space<hbm>>
      tpu.wait_dma2 semaphore(%run_scoped3A : memref<!tpu.dma_semaphore, #tpu.memory_space<semaphore_mem>>) src(%dma_wait3A_39 : memref<50x128xi32, #tpu.memory_space<hbm>>) dst(%arg7 : memref<50x128xi32, #tpu.memory_space<vmem>>)
      tpu.yield
    }) : () -> ()
    %scan3A_14 = arith.constant 0 : i32
    %scan3A_15 = arith.constant 0 : i32
    %scan3A_16 = arith.constant 10 : i32
    %scan3A_17 = arith.addi %scan3A_15, %scan3A_16 : i32
    %scan3A_18 = arith.constant 1 : i32
    scf.for %scan3A_26 = %scan3A_15 to %scan3A_17 step %scan3A_18  : i32 {
      %dma_start3A = arith.constant 0 : i32
      %dma_start3A_27 = arith.constant 0 : i32
      %dma_start3A_28 = tpu.memref_slice %arg8[%scan3A_26, %dma_start3A, %dma_start3A_27] : memref<10x128x64xf32, #tpu.memory_space<vmem>> -> memref<1x128x64xf32, #tpu.memory_space<vmem>>
      %dma_start3A_29 = tpu.memref_squeeze %dma_start3A_28 : memref<1x128x64xf32, #tpu.memory_space<vmem>> -> memref<128x64xf32, #tpu.memory_space<vmem>>
      %dma_start3A_30 = arith.constant 0 : i32
      %dma_start3A_31 = tpu.memref_slice %arg7[%scan3A_26, %dma_start3A_30] : memref<50x128xi32, #tpu.memory_space<vmem>> -> memref<1x128xi32, #tpu.memory_space<vmem>>
      %dma_start3A_32 = tpu.memref_squeeze %dma_start3A_31 : memref<1x128xi32, #tpu.memory_space<vmem>> -> memref<128xi32, #tpu.memory_space<vmem>>
      %dma_start3A_33 = arith.constant 0 : i32
      %dma_start3A_34 = arith.constant 0 : i32
      %dma_start3A_35 = tpu.memref_slice %arg2[%dma_start3A_33, %dma_start3A_34] : memref<2000000x64xf32, #tpu.memory_space<hbm>> -> memref<2000000x64xf32, #tpu.memory_space<hbm>>
      tpu.enqueue_indirect_dma source(%dma_start3A_35 : memref<2000000x64xf32, #tpu.memory_space<hbm>>) target(%dma_start3A_29 : memref<128x64xf32, #tpu.memory_space<vmem>>) offsets(%dma_start3A_32 : memref<128xi32, #tpu.memory_space<vmem>>) semaphore(%arg9 : memref<!tpu.dma_semaphore, #tpu.memory_space<semaphore_mem>>)
    }
    %scan3A_19 = arith.constant 10 : i32
    %scan3A_20 = arith.constant 0 : i32
    %scan3A_21 = arith.constant 0 : i32
    %scan3A_22 = arith.constant 50 : i32
    %scan3A_23 = arith.addi %scan3A_21, %scan3A_22 : i32
    %scan3A_24 = arith.constant 1 : i32
    scf.for %scan3A_26 = %scan3A_21 to %scan3A_23 step %scan3A_24  : i32 {
      %rem3A = arith.constant 10 : i32
      %rem3A_27 = arith.remsi %scan3A_26, %rem3A : i32
      %dma_wait3A = arith.constant 0 : i32
      %dma_wait3A_28 = arith.constant 0 : i32
      %dma_wait3A_29 = arith.constant 0 : i32
      %dma_wait3A_30 = arith.constant 0 : i32
      %dma_wait3A_31 = tpu.memref_slice %arg8[%dma_wait3A_28, %dma_wait3A_29, %dma_wait3A_30] : memref<10x128x64xf32, #tpu.memory_space<vmem>> -> memref<1x128x64xf32, #tpu.memory_space<vmem>>
      %dma_wait3A_32 = tpu.memref_squeeze %dma_wait3A_31 : memref<1x128x64xf32, #tpu.memory_space<vmem>> -> memref<128x64xf32, #tpu.memory_space<vmem>>
      %dma_wait3A_33 = arith.constant 0 : i32
      %dma_wait3A_34 = tpu.memref_slice %arg7[%dma_wait3A, %dma_wait3A_33] : memref<50x128xi32, #tpu.memory_space<vmem>> -> memref<1x128xi32, #tpu.memory_space<vmem>>
      %dma_wait3A_35 = tpu.memref_squeeze %dma_wait3A_34 : memref<1x128xi32, #tpu.memory_space<vmem>> -> memref<128xi32, #tpu.memory_space<vmem>>
      %dma_wait3A_36 = arith.constant 0 : i32
      %dma_wait3A_37 = arith.constant 0 : i32
      %dma_wait3A_38 = tpu.memref_slice %arg2[%dma_wait3A_36, %dma_wait3A_37] : memref<2000000x64xf32, #tpu.memory_space<hbm>> -> memref<2000000x64xf32, #tpu.memory_space<hbm>>
      tpu.wait_indirect_dma semaphore(%arg9 : memref<!tpu.dma_semaphore, #tpu.memory_space<semaphore_mem>>) src(%dma_wait3A_38 : memref<2000000x64xf32, #tpu.memory_space<hbm>>) dst(%dma_wait3A_32 : memref<128x64xf32, #tpu.memory_space<vmem>>)
      %mul3A_39 = arith.constant 128 : i32
      %mul3A_40 = arith.muli %scan3A_26, %mul3A_39 : i32
      %add3A_41 = arith.addi %mul3A_2, %mul3A_40 : i32
      "tpu.region"() ({
        %run_scoped3A = tpu.sem_alloc : memref<!tpu.dma_semaphore, #tpu.memory_space<semaphore_mem>>
        %dma_start3A = arith.constant 0 : i32
        %dma_start3A_46 = arith.constant 0 : i32
        %dma_start3A_47 = tpu.memref_slice %arg8[%rem3A_27, %dma_start3A, %dma_start3A_46] : memref<10x128x64xf32, #tpu.memory_space<vmem>> -> memref<1x128x64xf32, #tpu.memory_space<vmem>>
        %dma_start3A_48 = tpu.memref_squeeze %dma_start3A_47 : memref<1x128x64xf32, #tpu.memory_space<vmem>> -> memref<128x64xf32, #tpu.memory_space<vmem>>
        %dma_start3A_49 = arith.constant 0 : i32
        %dma_start3A_50 = tpu.memref_slice %arg6[%add3A_41, %dma_start3A_49] : memref<204800x64xf32, #tpu.memory_space<hbm>> -> memref<128x64xf32, #tpu.memory_space<hbm>>
        %dma_start3A_51 = arith.constant 0 : i32
        %dma_start3A_52 = tpu.memref_slice %arg6[%add3A_41, %dma_start3A_51] : memref<204800x64xf32, #tpu.memory_space<hbm>> -> memref<128x64xf32, #tpu.memory_space<hbm>>
        %dma_start3A_53 = arith.constant 0 : i32
        %dma_start3A_54 = arith.constant 0 : i32
        %dma_start3A_55 = tpu.memref_slice %arg8[%rem3A_27, %dma_start3A_53, %dma_start3A_54] : memref<10x128x64xf32, #tpu.memory_space<vmem>> -> memref<1x128x64xf32, #tpu.memory_space<vmem>>
        %dma_start3A_56 = tpu.memref_squeeze %dma_start3A_55 : memref<1x128x64xf32, #tpu.memory_space<vmem>> -> memref<128x64xf32, #tpu.memory_space<vmem>>
        tpu.enqueue_dma source(%dma_start3A_56 : memref<128x64xf32, #tpu.memory_space<vmem>>) target(%dma_start3A_52 : memref<128x64xf32, #tpu.memory_space<hbm>>) target_semaphore(%run_scoped3A : memref<!tpu.dma_semaphore, #tpu.memory_space<semaphore_mem>>)
        %dma_wait3A_57 = arith.constant 0 : i32
        %dma_wait3A_58 = arith.constant 0 : i32
        %dma_wait3A_59 = tpu.memref_slice %arg8[%rem3A_27, %dma_wait3A_57, %dma_wait3A_58] : memref<10x128x64xf32, #tpu.memory_space<vmem>> -> memref<1x128x64xf32, #tpu.memory_space<vmem>>
        %dma_wait3A_60 = tpu.memref_squeeze %dma_wait3A_59 : memref<1x128x64xf32, #tpu.memory_space<vmem>> -> memref<128x64xf32, #tpu.memory_space<vmem>>
        %dma_wait3A_61 = arith.constant 0 : i32
        %dma_wait3A_62 = tpu.memref_slice %arg6[%add3A_41, %dma_wait3A_61] : memref<204800x64xf32, #tpu.memory_space<hbm>> -> memref<128x64xf32, #tpu.memory_space<hbm>>
        %dma_wait3A_63 = arith.constant 0 : i32
        %dma_wait3A_64 = tpu.memref_slice %arg6[%add3A_41, %dma_wait3A_63] : memref<204800x64xf32, #tpu.memory_space<hbm>> -> memref<128x64xf32, #tpu.memory_space<hbm>>
        %dma_wait3A_65 = arith.constant 0 : i32
        %dma_wait3A_66 = arith.constant 0 : i32
        %dma_wait3A_67 = tpu.memref_slice %arg8[%rem3A_27, %dma_wait3A_65, %dma_wait3A_66] : memref<10x128x64xf32, #tpu.memory_space<vmem>> -> memref<1x128x64xf32, #tpu.memory_space<vmem>>
        %dma_wait3A_68 = tpu.memref_squeeze %dma_wait3A_67 : memref<1x128x64xf32, #tpu.memory_space<vmem>> -> memref<128x64xf32, #tpu.memory_space<vmem>>
        tpu.wait_dma2 semaphore(%run_scoped3A : memref<!tpu.dma_semaphore, #tpu.memory_space<semaphore_mem>>) src(%dma_wait3A_68 : memref<128x64xf32, #tpu.memory_space<vmem>>) dst(%dma_wait3A_64 : memref<128x64xf32, #tpu.memory_space<hbm>>)
        tpu.yield
      }) : () -> ()
      %add3A_42 = arith.constant 10 : i32
      %add3A_43 = arith.addi %scan3A_26, %add3A_42 : i32
      %lt3A = arith.constant 50 : i32
      %lt3A_44 = arith.cmpi slt, %add3A_43, %lt3A : i32
      %convert_element_type3A = arith.extui %lt3A_44 : i1 to i32
      %cond3A = arith.constant 0 : i32
      %cond3A_45 = arith.cmpi ne, %convert_element_type3A, %cond3A : i32
      scf.if %cond3A_45 {
        %add3A_46 = arith.constant 10 : i32
        %add3A_47 = arith.addi %scan3A_26, %add3A_46 : i32
        %dma_start3A = arith.constant 0 : i32
        %dma_start3A_48 = arith.constant 0 : i32
        %dma_start3A_49 = tpu.memref_slice %arg8[%rem3A_27, %dma_start3A, %dma_start3A_48] : memref<10x128x64xf32, #tpu.memory_space<vmem>> -> memref<1x128x64xf32, #tpu.memory_space<vmem>>
        %dma_start3A_50 = tpu.memref_squeeze %dma_start3A_49 : memref<1x128x64xf32, #tpu.memory_space<vmem>> -> memref<128x64xf32, #tpu.memory_space<vmem>>
        %dma_start3A_51 = arith.constant 0 : i32
        %dma_start3A_52 = tpu.memref_slice %arg7[%add3A_47, %dma_start3A_51] : memref<50x128xi32, #tpu.memory_space<vmem>> -> memref<1x128xi32, #tpu.memory_space<vmem>>
        %dma_start3A_53 = tpu.memref_squeeze %dma_start3A_52 : memref<1x128xi32, #tpu.memory_space<vmem>> -> memref<128xi32, #tpu.memory_space<vmem>>
        %dma_start3A_54 = arith.constant 0 : i32
        %dma_start3A_55 = arith.constant 0 : i32
        %dma_start3A_56 = tpu.memref_slice %arg2[%dma_start3A_54, %dma_start3A_55] : memref<2000000x64xf32, #tpu.memory_space<hbm>> -> memref<2000000x64xf32, #tpu.memory_space<hbm>>
        tpu.enqueue_indirect_dma source(%dma_start3A_56 : memref<2000000x64xf32, #tpu.memory_space<hbm>>) target(%dma_start3A_50 : memref<128x64xf32, #tpu.memory_space<vmem>>) offsets(%dma_start3A_53 : memref<128xi32, #tpu.memory_space<vmem>>) semaphore(%arg9 : memref<!tpu.dma_semaphore, #tpu.memory_space<semaphore_mem>>)
      } else {
      }
    }
    %scan3A_25 = arith.constant 50 : i32
    return
  }
}

module attributes {stable_mosaic.version = 14 : i64} {
  func.func @body(%arg0: memref<50x4096xi32, #tpu.memory_space<vmem>>, %arg1: memref<1600x128xi32, #tpu.memory_space<vmem>>) attributes {dimension_semantics = [], scalar_prefetch = 0 : i64, scratch_operands = 0 : i64, tpu.core_type = #tpu.core_type<tc>} {
    %get3A = arith.constant 0 : index
    %get3A_0 = arith.constant 0 : index
    %get3A_1 = vector.load %arg0[%get3A, %get3A_0] : memref<50x4096xi32, #tpu.memory_space<vmem>>, vector<50x4096xi32>
    %reshape3A = vector.shape_cast %get3A_1 : vector<50x4096xi32> to vector<1600x128xi32>
    %mul3A = arith.constant 2 : i32
    %mul3A_2 = vector.broadcast %mul3A : i32 to vector<1600x128xi32>
    %mul3A_3 = arith.muli %reshape3A, %mul3A_2 : vector<1600x128xi32>
    %swap3A = arith.constant 0 : index
    %swap3A_4 = arith.constant 0 : index
    %swap3A_5 = vector.load %arg1[%swap3A, %swap3A_4] : memref<1600x128xi32, #tpu.memory_space<vmem>>, vector<1600x128xi32>
    tpu.vector_store %arg1[%swap3A, %swap3A_4], %mul3A_3 {strides = array<i32>} : memref<1600x128xi32, #tpu.memory_space<vmem>>, vector<1600x128xi32>,
    return
  }
}

</mosaic_0001>

<sc_bundles>
// kernel: kernel.5.cloned.1.call-start
scs
__scs_entry_jumppad:
0x0: {  	(pc) =	sbr.rel $0x88, $3  }
0x1: {  	(tag) =	ssettag $0x0;
	lr =	simm.s32 $0x1  }
0x2: {  	[smem:$0x3F9E] =	sst lr;
	_ =	strace $0xD0000000  }
0x3: {  	_ = 	snop  }
0x4: {  	_ = 	snop  }
0x5: {  	_ = 	snop  }
0x6: {  	_ = 	snop  }
0x7: {  	_ = 	snop  }
__scs_overlays_trampoline_lowered:
0x8: {  	[smem:$0x3FAD] =	sst s0  }
0x9: {  	[smem:$0x3FAE] =	sst s1  }
0xa: {  	[smem:$0x3FAF] =	sst s2  }
0xb: {  	[smem:$0x3FB0] =	sst s3  }
0xc: {  	[smem:$0x3FB1] =	sst s4  }
0xd: {  	[smem:$0x3FB2] =	sst s5  }
0xe: {  	[smem:$0x3FB3] =	sst s6  }
0xf: {  	[smem:$0x3FB4] =	sst s7  }
0x10: {  	[smem:$0x3FB5] =	sst s8  }
0x11: {  	[smem:$0x3FB6] =	sst s9;
	s0 =	simm.s32 @!p0 $0x0  }
0x12: {  	s1 =	sld [smem:$0x3F9C];
	s0 =	simm.s32 @p0 $0x1  }
0x13: {  	[smem:$0x3FB7] =	sst s0;
	s0 =	simm.s32 @!p1 $0x0  }
0x14: {  	s2 =	sld [smem:$0x3F9B];
	s0 =	simm.s32 @p1 $0x1  }
0x15: {  	[smem:$0x3FB8] =	sst s0;
	s0 =	simm.s32 @!p2 $0x0  }
0x16: {  	s3 =	sld [smem:$0x3FDB];
	s0 =	simm.s32 @p2 $0x1  }
0x17: {  	s4 =	simm.s32 $0x1BF5;
	[smem:$0x3FBA] =	sst s0  }
0x18: {  	s0 =	sld [smem:$0x3F9D];
	_ =	swait.ge [sflag:s4], $0x0  }
0x19: {  	s7 =	sld [smem:$0x3F9E]  }
0x1a: {  	s8 =	sadd.s32 $0xFFFFE003, lr  }
0x1b: {  	s9 =	sadd.s32 $0xFFFFFEF7, lr;
	s5 =	simm.s32 $0xFFFFFFFF;
	p2 =	slt.u32 s8, $0xFFFFF086  }
0x1c: {  	p1 =	slt.u32 s9, $0xF7A;
	s5 =	simm.s32 @!p2 $0x0  }
0x1d: {  	s5 =	simm.s32 @p1 $0x1;
	p0 =	seq.s32 s7, s2  }
0x1e: {  	s7 =	smul.u32 @!p0 $0xF7A, s2;
	p2 =	seq.s32 @!p0 s5, $0x0  }
0x1f: {  	s9 =	smul.u32 $0xF7A, s1;
	s8 =	simm.s32 @!p0 $0x1BF5;
	p2 =	por !p2, p0  }
0x20: {  	[sflag:s8] =	ssyncset.s32 @!p0 $0xFFFFF086;
	s6 =	sadd.s32 @!p0 s3, s7;
	s7 =	simm.s32 @!p0 $0x108  }
0x21: {  	s3 =	sadd.s32 s3, s9;
	s6 =	sadd.s32 @!p0 $0x88, s6;
	s7 =	simm.s32 @p2 $0x1082  }
0x22: {  	[simem:s7], [sflag:s8] =	dma.local @!p0 [hbm:s6], $0xF7A  }
0x23: {  	s9 =	sor.u32 $0xD0000000, s2;
	s6 =	simm.s32 $0x108;
	_ =	swait.ge @!p0 [sflag:s8], $0x0  }
0x24: {  	s3 =	sadd.s32 $0x88, s3;
	s6 =	simm.s32 @!p1 $0x1082;
	[sflag:s4] =	ssyncset.s32 $0xFFFFF086  }
0x25: {  	[simem:s6], [sflag:s4] =	dma.local [hbm:s3], $0xF7A  }
0x26: {  	[smem:$0x3F9E] =	sst s1;
	(tag) =	ssettag s2;
	_ =	strace s9  }
0x27: {  	s1 =	sld [smem:$0x3FAE]  }
0x28: {  	s2 =	sld [smem:$0x3FAF]  }
0x29: {  	s4 =	sld [smem:$0x3FB1]  }
0x2a: {  	p0 =	seq.s32 s5, $0x0;
	s5 =	sld [smem:$0x3FB2]  }
0x2b: {  	s6 =	sld [smem:$0x3FB3]  }
0x2c: {  	s7 =	sld [smem:$0x3FB4]  }
0x2d: {  	s3 =	simm.s32 $0x108;
	s8 =	sld [smem:$0x3FB5]  }
0x2e: {  	s3 =	simm.s32 @!p0 $0x1082;
	s9 =	sld [smem:$0x3FB6]  }
0x2f: {  	lr =	sadd.s32 s0, s3;
	s0 =	sld [smem:$0x3FAD]  }
0x30: {  	s3 =	sld [smem:$0x3FB0]  }
0x31: {  	[smem:$0x3FB9] =	sst s10  }
0x32: {  	s10 =	sld [smem:$0x3FB7];
	_ =	sdelay $0x3  }
0x33: {  	p0 =	seq.s32 s10, $0x1;
	s10 =	sld [smem:$0x3FB9];
	_ =	sdelay $0x3  }
0x34: {  	[smem:$0x3FB9] =	sst s10  }
0x35: {  	s10 =	sld [smem:$0x3FB8];
	_ =	sdelay $0x3  }
0x36: {  	p1 =	seq.s32 s10, $0x1;
	s10 =	sld [smem:$0x3FB9];
	_ =	sdelay $0x3  }
0x37: {  	[smem:$0x3FB9] =	sst s10  }
0x38: {  	s10 =	sld [smem:$0x3FBA]  }
0x39: {  	_ = 	snop;
	(pc) =	sbr.ind lr, $3  }
0x3a: {  	_ = 	snop  }
0x3b: {  	_ = 	snop  }
0x3c: {  	p2 =	seq.s32 s10, $0x1;
	s10 =	sld [smem:$0x3FB9]  }
0x3d: {  	_ =	shalt  }
0x3e: {  	_ =	shalt  }
0x3f: {  	_ =	shalt  }
0x40: {  	_ =	shalt  }
0x41: {  	_ =	shalt  }
0x42: {  	_ =	shalt  }
0x43: {  	_ =	shalt  }
0x44: {  	_ =	shalt  }
0x45: {  	_ =	shalt  }
0x46: {  	_ =	shalt  }
0x47: {  	_ =	shalt  }
0x48: {  	_ =	shalt  }
0x49: {  	_ =	shalt  }
0x4a: {  	_ =	shalt  }
0x4b: {  	_ =	shalt  }
0x4c: {  	_ =	shalt  }
0x4d: {  	_ =	shalt  }
0x4e: {  	_ =	shalt  }
0x4f: {  	_ =	shalt  }
0x50: {  	_ =	shalt  }
0x51: {  	_ =	shalt  }
0x52: {  	_ =	shalt  }
0x53: {  	_ =	shalt  }
0x54: {  	_ =	shalt  }
0x55: {  	_ =	shalt  }
0x56: {  	_ =	shalt  }
0x57: {  	_ =	shalt  }
0x58: {  	_ =	shalt  }
0x59: {  	_ =	shalt  }
0x5a: {  	_ =	shalt  }
0x5b: {  	_ =	shalt  }
0x5c: {  	_ =	shalt  }
0x5d: {  	_ =	shalt  }
0x5e: {  	_ =	shalt  }
0x5f: {  	_ =	shalt  }
0x60: {  	_ =	shalt  }
0x61: {  	_ =	shalt  }
0x62: {  	_ =	shalt  }
0x63: {  	_ =	shalt  }
0x64: {  	_ =	shalt  }
0x65: {  	_ =	shalt  }
0x66: {  	_ =	shalt  }
0x67: {  	_ =	shalt  }
0x68: {  	_ =	shalt  }
0x69: {  	_ =	shalt  }
0x6a: {  	_ =	shalt  }
0x6b: {  	_ =	shalt  }
0x6c: {  	_ =	shalt  }
0x6d: {  	_ =	shalt  }
0x6e: {  	_ =	shalt  }
0x6f: {  	_ =	shalt  }
0x70: {  	_ =	shalt  }
0x71: {  	_ =	shalt  }
0x72: {  	_ =	shalt  }
0x73: {  	_ =	shalt  }
0x74: {  	_ =	shalt  }
0x75: {  	_ =	shalt  }
0x76: {  	_ =	shalt  }
0x77: {  	_ =	shalt  }
0x78: {  	_ =	shalt  }
0x79: {  	_ =	shalt  }
0x7a: {  	_ =	shalt  }
0x7b: {  	_ =	shalt  }
0x7c: {  	_ =	shalt  }
0x7d: {  	_ =	shalt  }
0x7e: {  	_ =	shalt  }
0x7f: {  	_ =	shalt  }
0x80: {  	_ =	shalt  }
0x81: {  	_ =	shalt  }
0x82: {  	_ =	shalt  }
0x83: {  	_ =	shalt  }
0x84: {  	_ =	shalt  }
0x85: {  	_ =	shalt  }
0x86: {  	_ =	shalt  }
0x87: {  	_ =	shalt  }
.Lfunc_end0:
.L_simem_size_0:
called_computation.3_lowered:
.L_overlay_start_0:
0x88: {  	s2 =	sld [smem:$0x3FD9]  }
0x89: {  	s3 =	sld [smem:$0x3FFE];
	_ =	sdelay $0x1  }
0x8a: {  	s1 =	srdreg.scid  }
0x8b: {  	s0 =	sand.u32 $0x1, s1  }
0x8c: {  	s14 =	sshll.u32 s0, $0xA;
	s2 =	sadd.s32 s3, s2  }
0x8d: {  	s2 =	sadd.s32 s2, s14  }
0x8e: {  	[smem:$0x3FC5] =	sst s2  }
0x8f: {  	_ = 	snop  }
0x90: {  	s2 =	sld [smem:$0x3FD0];
	_ =	sdelay $0x2  }
0x91: {  	s15 =	simm.s32 $0xB;
	s4 =	simm.s32 $0x10  }
0x92: {  	[smem:s4], [sflag:s15] =	dma.local [hbm:s2], $0x1  }
0x93: {  	_ =	swait.eq [sflag:s15], $0x1  }
0x94: {  	[sflag:s15] =	ssyncset.done $0x0  }
0x95: {  	s16 =	sld [smem:$0x10];
	[sflag:s15] =	ssyncadd.s32 $0xFFFFFFFF  }
0x96: {  	s17 =	sld [smem:$0x11];
	(tm) =	ssettm $0x1  }
0x97: {  	s18 =	sld [smem:$0x3FFB];
	_ =	sdelay $0x3  }
0x98: {  	_ =	strace s18  }
0x99: {  	s4 =	sld [smem:$0x3FFC];
	_ =	sdelay $0x3  }
0x9a: {  	_ =	strace s4  }
0x9b: {  	s4 =	sld [smem:$0x3FFD];
	_ =	sdelay $0x3  }
0x9c: {  	_ =	strace s4  }
0x9d: {  	_ =	strace $0x8FFFFFFF  }
0x9e: {  	s19 =	sld [smem:$0x3FDB];
	_ =	sdelay $0x1  }
0x9f: {  	s5 =	simm.s32 $_scs_section_size  }
0xa0: {  	s6 =	simm.s32 $_size__tile_overlayer_lowered;
	s7 =	simm.s32 $_tile_overlayer_lowered  }
0xa1: {  	s22 =	simm.s32 $0x1BFF;
	s21 =	sshll.u32 s7, $0x1;
	s4 =	sadd.s32 s5, s19  }
0xa2: {  	s8 =	simm.s32 $0x0;
	s20 =	sshll.u32 s6, $0x1;
	s6 =	sadd.s32 s21, s4  }
0xa3: {  	[timem:s8], [sflag:s22] =	dma.local [hbm:s6], s20  }
0xa4: {  	_ =	swait.ge [sflag:s22], s20  }
0xa5: {  	s5 =	ssub.s32 $0x0, s20;
	[sflag:s22] =	ssyncset.done $0x0  }
0xa6: {  	[sflag:s22] =	ssyncadd.s32 s5;
	_ =	sdelay $0x1  }
0xa7: {  	s23 =	simm.s32 $0x1B8B  }
0xa8: {  	_ =	swait.ge [sflag:s23], $0x1  }
0xa9: {  	[sflag:s23] =	ssyncset.done $0x0  }
0xaa: {  	s25 =	simm.s32 $0x1B8E;
	s24 =	sld [smem:$0x3FFE];
	[sflag:s23] =	ssyncadd.s32 $0xFFFFFFFF  }
0xab: {  	s26 =	simm.s32 $execute0_lowered;
	[smem:$0x3FD2] =	sst s25  }
0xac: {  	s6 =	sshll.u32 s26, $0x1;
	_ =	strace $0x80000049;
	[dreg:$0x1] =	wrdreg $0xFFFFFFFF  }
0xad: {  	s28 =	simm.s32 $_size_execute0_lowered;
	s4 =	sadd.s32 s4, s6;
	[dreg:$0x0] =	wrdreg $0x0  }
0xae: {  	s6 =	sshll.u32 s28, $0x1;
	[dreg:$0x2] =	wrdreg s4  }
0xaf: {  	[dreg:$0x3] =	wrdreg s6  }
0xb0: {  	[dreg:$0x4] =	wrdreg $0xC0  }
0xb1: {  	_ =	task [dreg:s8], $0x5FFFF  }
0xb2: {  	[dreg:$0x1] =	wrdreg $0xFFFFFFFF  }
0xb3: {  	[dreg:$0x0] =	wrdreg $0x60  }
0xb4: {  	[dreg:$0x2] =	wrdreg s24  }
0xb5: {  	[dreg:$0x3] =	wrdreg s16  }
0xb6: {  	[dreg:$0x4] =	wrdreg s17  }
0xb7: {  	[dreg:$0x5] =	wrdreg $0x9  }
0xb8: {  	_ =	task.clear_ibuf [dreg:s8], $0x6FFFF;
	_ =	strace $0x90000049  }
0xb9: {  	s29 =	simm.s32 $0x9;
	_ =	strace $0x8000004B  }
0xba: {  	_ =	swait.ge [sflag:s29], $0x1  }
0xbb: {  	[sflag:s29] =	ssyncadd.s32 $0xFFFFFFFF  }
0xbc: {  	_ =	strace $0x9000004B  }
0xbd: {  	_ =	sfence  }
0xbe: {  	s30 =	sld [smem:$0x0];
	_ =	sdelay $0x2  }
0xbf: {  	s31 =	sshll.u32 s1, $0xD;
	s1 =	sshrl.u32 s1, $0x2  }
0xc0: {  	s3 =	sand.u32 $0x4000, s31;
	s1 =	sadd.s32 s1, s30  }
0xc1: {  	s0 =	sor.u32 s3, s0;
	s1 =	sshll.u32 s1, $0x11  }
0xc2: {  	s0 =	sor.u32 s1, s0  }
0xc3: {  	s0 =	sadd.s32 $0x8F2B, s0  }
0xc4: {  	[sflag:s0] =	ssyncadd.remote.s32 $0x1  }
0xc5: {  	_ =	sfence.sel $0xFFFF  }
0xc6: {  	[dreg:$0x0] =	wrdreg $0xFFFFFFFF;
	(pc) =	sbr.abs _section_cstart, $3  }
0xc7: {  	[dreg:$0x1] =	wrdreg $0xFFFFFFFF  }
0xc8: {  	_ =	task.clear_ibuf [dreg:s8], $0x2FFFF;
	_ =	strace $0x9FFFFFFF  }
0xc9: {  	(tm) =	ssettm $0x7FFFFFFF  }
tec
execute0_lowered:
.L_overlay_start_1:
0x0: {  	(tag) =	ssettag $0x1  }
0x1: {  	s0 =	rddreg [dreg:$0x0]  }
0x2: {  	s1 =	srdreg.scid;
	s4 =	rddreg [dreg:$0x1]  }
0x3: {  	s7 =	stileid.u32;
	s5 =	rddreg [dreg:$0x2]  }
0x4: {  	s9 =	simm.s32 $0x2;
	s10 =	simm.s32 $0x80;
	s15 =	simm.s32 $0x180  }
0x5: {  	s16 =	simm.s32 $0x7900;
	s17 =	simm.s32 $0x200;
	s18 =	simm.s32 $0x9900  }
0x6: {  	s19 =	simm.s32 $0x280;
	s20 =	simm.s32 $0xB900;
	s21 =	simm.s32 $0x300  }
0x7: {  	s22 =	simm.s32 $0xD900;
	s28 =	simm.s32 $0x480;
	s29 =	simm.s32 $0x13900  }
0x8: {  	s30 =	simm.s32 $0x1;
	s1 =	sand.u32 $0x1, s1;
	s2 =	sshll.u32 s7, $0x1  }
0x9: {  	s31 =	simm.s32 $0x0;
	s7 =	smul.u32 $0xC8000, s7;
	s3 =	sor.u32 s1, s2  }
0xa: {  	s2 =	simm.s32 $0x0;
	s8 =	ssub.s32 $0x2, s1;
	s1 =	smul.u32 $0x64000, s1  }
0xb: {  	s6 =	smul.u32 $0x320, s3;
	[smem:$0x7FF] =	sst s2;
	s3 =	sadd.s32 $0xF50800, s0  }
0xc: {  	s23 =	sshrl.u32 s8, $0x1;
	_ =	strace $0x8000004A;
	s1 =	sadd.s32 s1, s7  }
0xd: {  	s0 =	sadd.s32 s6, s0;
	s6 =	ssub.s32 s8, s23;
	s26 =	sshrl.u32 s1, $0x3  }
0xe: {  	s23 =	simm.s32 $0x380;
	s24 =	sadd.s32 $0xF4A400, s0;
	s0 =	sadd.s32 $0xF44000, s0  }
0xf: {  	s25 =	smax.u32 s6, $0x1;
	s7 =	sadd.s32 s26, s4;
	[dreg:$0x4] =	wrdreg s24  }
0x10: {  	s8 =	sadd.s32 s26, s5;
	s26 =	simm.s32 $0x11900;
	[dreg:$0x5] =	wrdreg s0  }
0x11: {  	[dreg:$0x6] =	wrdreg s25;
	s24 =	simm.s32 $0xF900;
	s25 =	simm.s32 $0x400  }
.LBB2_1:
0x12: {  	s0 =	rddreg [dreg:$0x4]  }
0x13: {  	[tilespmem:s2], [sflag:$0x2] =	stream.linear.gather [hbm4b:s0+s2], $0x1900, $0x38;
	[tilespmem:$0x15900] =	vst v63  }
0x14: {  	_ =	swait.ge [sflag:s9], $0x1900  }
0x15: {  	[sflag:s9] =	ssyncset.done $0x0  }
0x16: {  	s11 =	simm.s32 $0x1900;
	[sflag:s9] =	ssyncadd.s32 $0xFFFFE700  }
0x17: {  	[tilespmem:s11], [sflag:$0x1] =	stream.indirect.gather [hbm4b:s3+s10], $0x40, s2, s10, $0xb8;
	[tilespmem:$0x15900] =	vst v63  }
0x18: {  	s12 =	simm.s32 $0x3900  }
0x19: {  	[tilespmem:s12], [sflag:$0x1] =	stream.indirect.gather [hbm4b:s3+s10], $0x40, s10, s10, $0xb8;
	[tilespmem:$0x15900] =	vst v63  }
0x1a: {  	s13 =	simm.s32 $0x100;
	s1 =	simm.s32 $0x5900  }
0x1b: {  	[tilespmem:s1], [sflag:$0x1] =	stream.indirect.gather [hbm4b:s3+s10], $0x40, s13, s10, $0xb8;
	[tilespmem:$0x15900] =	vst v63  }
0x1c: {  	_ = 	snop  }
0x1d: {  	[tilespmem:s16], [sflag:$0x1] =	stream.indirect.gather [hbm4b:s3+s10], $0x40, s15, s10, $0xb8;
	[tilespmem:$0x15900] =	vst v63  }
0x1e: {  	_ = 	snop  }
0x1f: {  	[tilespmem:s18], [sflag:$0x1] =	stream.indirect.gather [hbm4b:s3+s10], $0x40, s17, s10, $0xb8;
	[tilespmem:$0x15900] =	vst v63  }
0x20: {  	s14 =	smul.u32 $0xCD, s2  }
0x21: {  	[tilespmem:s20], [sflag:$0x1] =	stream.indirect.gather [hbm4b:s3+s10], $0x40, s19, s10, $0xb8;
	[tilespmem:$0x15900] =	vst v63  }
0x22: {  	s0 =	sshrl.u32 s14, $0xB  }
0x23: {  	[tilespmem:s22], [sflag:$0x1] =	stream.indirect.gather [hbm4b:s3+s10], $0x40, s21, s10, $0xb8;
	[tilespmem:$0x15900] =	vst v63  }
0x24: {  	s0 =	sand.u32 $0x1F, s0  }
0x25: {  	[tilespmem:s24], [sflag:$0x1] =	stream.indirect.gather [hbm4b:s3+s10], $0x40, s23, s10, $0xb8;
	[tilespmem:$0x15900] =	vst v63  }
0x26: {  	s0 =	smul.u32 $0xA, s0  }
0x27: {  	[tilespmem:s26], [sflag:$0x1] =	stream.indirect.gather [hbm4b:s3+s10], $0x40, s25, s10, $0xb8;
	[tilespmem:$0x15900] =	vst v63  }
0x28: {  	s5 =	simm.s32 $0x2;
	s4 =	ssub.s32 $0x0, s0  }
0x29: {  	[tilespmem:s29], [sflag:$0x1] =	stream.indirect.gather [hbm4b:s3+s10], $0x40, s28, s10, $0xb8;
	[tilespmem:$0x15900] =	vst v63  }
0x2a: {  	p1 =	por $0x0, $0x0;
	s4 =	sand.u32 $0xFF, s4;
	_ =	swait.ge [sflag:s30], $0x2000  }
0x2b: {  	s0 =	simm.s32 $0x1;
	s4 =	sshll.u32 s4, $0xD;
	[sflag:s30] =	ssyncset.done $0x0  }
0x2c: {  	s6 =	smul.u32 $0xCD, s0;
	s11 =	sor.u32 $0x1900, s4;
	[sflag:s30] =	ssyncadd.s32 $0xFFFFE000  }
0x2d: {  	[hbm4b:s7+s2] =	stream.linear.scatter [tilespmem:s11], [sflag:$0x2], $0x2000, $0x38;
	[tilespmem:$0x15900] =	vst v63  }
0x2e: {  	s12 =	simm.s32 @!p1 $0x80;
	s1 =	simm.s32 $0x500;
	_ =	swait.ge [sflag:s9], $0x2000  }
0x2f: {  	s4 =	sadd.s32 $0x400, s7;
	s6 =	sshrl.u32 s6, $0xB;
	[sflag:s9] =	ssyncset.done $0x0  }
0x30: {  	s13 =	sand.u32 $0x1F, s6;
	s6 =	simm.s32 $0x500;
	[sflag:s9] =	ssyncadd.s32 $0xFFFFE000  }
.LBB2_2:
0x31: {  	s13 =	smul.u32 $0xA, s13;
	s1 =	sadd.s32 $0x80, s1  }
0x32: {  	s14 =	smov.u32 s0;
	s0 =	smov.u32 s5;
	s5 =	sadd.s32 $0x1, s5  }
0x33: {  	[tilespmem:s11], [sflag:$0x1] =	stream.indirect.gather @!p1 [hbm4b:s3+s12], $0x40, s6, s12, $0xb8;
	[tilespmem:$0x15900] =	vst v63  }
0x34: {  	p0 =	sne.s32 s5, $0x32;
	s6 =	smov.u32 s1;
	s11 =	ssub.s32 s14, s13  }
0x35: {  	_ =	swait.ge [sflag:s30], $0x2000;
	s11 =	sand.u32 $0xFF, s11  }
0x36: {  	s12 =	smul.u32 $0xCD, s0;
	[sflag:s30] =	ssyncset.done $0x0;
	s11 =	sshll.u32 s11, $0xD  }
.Ltmp0:
0x37: {  	[sflag:s30] =	ssyncadd.s32 $0xFFFFE000;
	s11 =	sor.u32 $0x1900, s11;
	(pc) =	sbr.rel @p0 .LBB2_2-.Ltmp0, $4  }
0x38: {  	[hbm4b:s4+s2] =	stream.linear.scatter [tilespmem:s11], [sflag:$0x2], $0x2000, $0x38;
	[tilespmem:$0x15900] =	vst v63  }
0x39: {  	s4 =	sadd.s32 $0x400, s4;
	_ =	swait.ge [sflag:s9], $0x2000  }
0x3a: {  	p1 =	sgt.u32 s14, $0x27;
	s12 =	sshrl.u32 s12, $0xB;
	[sflag:s9] =	ssyncset.done $0x0  }
0x3b: {  	s13 =	sand.u32 $0x1F, s12;
	s12 =	simm.s32 @!p1 $0x80;
	[sflag:s9] =	ssyncadd.s32 $0xFFFFE000  }
0x3c: {  	s5 =	smul.u32 $0xA, s13  }
0x3d: {  	[tilespmem:s11], [sflag:$0x1] =	stream.indirect.gather @!p1 [hbm4b:s3+s12], $0x40, s6, s12, $0xb8;
	[tilespmem:$0x15900] =	vst v63  }
0x3e: {  	s5 =	ssub.s32 s0, s5  }
0x3f: {  	_ =	swait.ge [sflag:s30], $0x2000;
	s5 =	sand.u32 $0xFF, s5  }
0x40: {  	[sflag:s30] =	ssyncset.done $0x0;
	s5 =	sshll.u32 s5, $0xD  }
0x41: {  	[sflag:s30] =	ssyncadd.s32 $0xFFFFE000;
	s5 =	sor.u32 $0x1900, s5  }
0x42: {  	[hbm4b:s4+s2] =	stream.linear.scatter [tilespmem:s5], [sflag:$0x2], $0x2000, $0x38;
	[tilespmem:$0x15900] =	vst v63  }
0x43: {  	_ =	swait.ge [sflag:s9], $0x2000  }
0x44: {  	p0 =	sgt.u32 s0, $0x27;
	[sflag:s9] =	ssyncset.done $0x0  }
0x45: {  	s0 =	sadd.s32 $0x80, s1;
	s1 =	simm.s32 @!p0 $0x80;
	[sflag:s9] =	ssyncadd.s32 $0xFFFFE000  }
0x46: {  	[tilespmem:s5], [sflag:$0x1] =	stream.indirect.gather @!p0 [hbm4b:s3+s1], $0x40, s0, s1, $0xb8;
	[tilespmem:$0x15900] =	vst v63  }
0x47: {  	s14 =	simm.s32 $0x0;
	s4 =	rddreg [dreg:$0x5]  }
0x48: {  	[tilespmem:s14], [sflag:$0x2] =	stream.linear.gather [hbm4b:s4+s14], $0x1900, $0x38;
	[tilespmem:$0x15900] =	vst v63  }
0x49: {  	_ =	swait.ge [sflag:s9], $0x1900  }
0x4a: {  	[sflag:s9] =	ssyncset.done $0x0  }
0x4b: {  	s5 =	simm.s32 $0x1900;
	[sflag:s9] =	ssyncadd.s32 $0xFFFFE700  }
0x4c: {  	[tilespmem:s5], [sflag:$0x1] =	stream.indirect.gather [hbm4b:s3+s10], $0x40, s14, s10, $0xb8;
	[tilespmem:$0x15900] =	vst v63  }
0x4d: {  	s6 =	simm.s32 $0x3900  }
0x4e: {  	[tilespmem:s6], [sflag:$0x1] =	stream.indirect.gather [hbm4b:s3+s10], $0x40, s10, s10, $0xb8;
	[tilespmem:$0x15900] =	vst v63  }
0x4f: {  	s11 =	simm.s32 $0x100;
	s12 =	simm.s32 $0x5900  }
0x50: {  	[tilespmem:s12], [sflag:$0x1] =	stream.indirect.gather [hbm4b:s3+s10], $0x40, s11, s10, $0xb8;
	[tilespmem:$0x15900] =	vst v63  }
0x51: {  	_ = 	snop  }
0x52: {  	[tilespmem:s16], [sflag:$0x1] =	stream.indirect.gather [hbm4b:s3+s10], $0x40, s15, s10, $0xb8;
	[tilespmem:$0x15900] =	vst v63  }
0x53: {  	_ = 	snop  }
0x54: {  	[tilespmem:s18], [sflag:$0x1] =	stream.indirect.gather [hbm4b:s3+s10], $0x40, s17, s10, $0xb8;
	[tilespmem:$0x15900] =	vst v63  }
0x55: {  	s0 =	smul.u32 $0xCD, s14  }
0x56: {  	[tilespmem:s20], [sflag:$0x1] =	stream.indirect.gather [hbm4b:s3+s10], $0x40, s19, s10, $0xb8;
	[tilespmem:$0x15900] =	vst v63  }
0x57: {  	s0 =	sshrl.u32 s0, $0xB  }
0x58: {  	[tilespmem:s22], [sflag:$0x1] =	stream.indirect.gather [hbm4b:s3+s10], $0x40, s21, s10, $0xb8;
	[tilespmem:$0x15900] =	vst v63  }
0x59: {  	s0 =	sand.u32 $0x1F, s0  }
0x5a: {  	[tilespmem:s24], [sflag:$0x1] =	stream.indirect.gather [hbm4b:s3+s10], $0x40, s23, s10, $0xb8;
	[tilespmem:$0x15900] =	vst v63  }
0x5b: {  	s0 =	smul.u32 $0xA, s0  }
0x5c: {  	[tilespmem:s26], [sflag:$0x1] =	stream.indirect.gather [hbm4b:s3+s10], $0x40, s25, s10, $0xb8;
	[tilespmem:$0x15900] =	vst v63  }
0x5d: {  	p1 =	por $0x0, $0x0;
	s13 =	ssub.s32 $0x0, s0  }
0x5e: {  	[tilespmem:s29], [sflag:$0x1] =	stream.indirect.gather [hbm4b:s3+s10], $0x40, s28, s10, $0xb8;
	[tilespmem:$0x15900] =	vst v63  }
0x5f: {  	s1 =	simm.s32 $0x500;
	s4 =	sand.u32 $0xFF, s13;
	_ =	swait.ge [sflag:s30], $0x2000  }
0x60: {  	s0 =	simm.s32 $0x1;
	s4 =	sshll.u32 s4, $0xD;
	[sflag:s30] =	ssyncset.done $0x0  }
0x61: {  	s14 =	smul.u32 $0xCD, s0;
	s11 =	sor.u32 $0x1900, s4;
	[sflag:s30] =	ssyncadd.s32 $0xFFFFE000  }
0x62: {  	[hbm4b:s8+s2] =	stream.linear.scatter [tilespmem:s11], [sflag:$0x2], $0x2000, $0x38;
	[tilespmem:$0x15900] =	vst v63  }
0x63: {  	s5 =	simm.s32 $0x2;
	s6 =	sshrl.u32 s14, $0xB;
	_ =	swait.ge [sflag:s9], $0x2000  }
0x64: {  	s4 =	sadd.s32 $0x400, s8;
	s13 =	sand.u32 $0x1F, s6;
	[sflag:s9] =	ssyncset.done $0x0  }
0x65: {  	s12 =	simm.s32 @!p1 $0x80;
	s6 =	simm.s32 $0x500;
	[sflag:s9] =	ssyncadd.s32 $0xFFFFE000  }
.LBB2_4:
0x66: {  	s13 =	smul.u32 $0xA, s13;
	s1 =	sadd.s32 $0x80, s1  }
0x67: {  	s14 =	smov.u32 s0;
	s0 =	smov.u32 s5;
	s5 =	sadd.s32 $0x1, s5  }
0x68: {  	[tilespmem:s11], [sflag:$0x1] =	stream.indirect.gather @!p1 [hbm4b:s3+s12], $0x40, s6, s12, $0xb8;
	[tilespmem:$0x15900] =	vst v63  }
0x69: {  	p0 =	sne.s32 s5, $0x32;
	s6 =	smov.u32 s1;
	s11 =	ssub.s32 s14, s13  }
0x6a: {  	_ =	swait.ge [sflag:s30], $0x2000;
	s11 =	sand.u32 $0xFF, s11  }
0x6b: {  	s12 =	smul.u32 $0xCD, s0;
	[sflag:s30] =	ssyncset.done $0x0;
	s11 =	sshll.u32 s11, $0xD  }
.Ltmp1:
0x6c: {  	[sflag:s30] =	ssyncadd.s32 $0xFFFFE000;
	s11 =	sor.u32 $0x1900, s11;
	(pc) =	sbr.rel @p0 .LBB2_4-.Ltmp1, $4  }
0x6d: {  	[hbm4b:s4+s2] =	stream.linear.scatter [tilespmem:s11], [sflag:$0x2], $0x2000, $0x38;
	[tilespmem:$0x15900] =	vst v63  }
0x6e: {  	s4 =	sadd.s32 $0x400, s4;
	_ =	swait.ge [sflag:s9], $0x2000  }
0x6f: {  	p1 =	sgt.u32 s14, $0x27;
	s12 =	sshrl.u32 s12, $0xB;
	[sflag:s9] =	ssyncset.done $0x0  }
0x70: {  	s13 =	sand.u32 $0x1F, s12;
	s12 =	simm.s32 @!p1 $0x80;
	[sflag:s9] =	ssyncadd.s32 $0xFFFFE000  }
0x71: {  	s5 =	smul.u32 $0xA, s13  }
0x72: {  	[tilespmem:s11], [sflag:$0x1] =	stream.indirect.gather @!p1 [hbm4b:s3+s12], $0x40, s6, s12, $0xb8;
	[tilespmem:$0x15900] =	vst v63  }
0x73: {  	s5 =	ssub.s32 s0, s5  }
0x74: {  	_ =	swait.ge [sflag:s30], $0x2000;
	s5 =	sand.u32 $0xFF, s5  }
0x75: {  	[sflag:s30] =	ssyncset.done $0x0;
	s5 =	sshll.u32 s5, $0xD  }
0x76: {  	[sflag:s30] =	ssyncadd.s32 $0xFFFFE000;
	s5 =	sor.u32 $0x1900, s5  }
0x77: {  	[hbm4b:s4+s2] =	stream.linear.scatter [tilespmem:s5], [sflag:$0x2], $0x2000, $0x38;
	[tilespmem:$0x15900] =	vst v63  }
0x78: {  	p0 =	sgt.u32 s0, $0x27;
	_ =	swait.ge [sflag:s9], $0x2000  }
0x79: {  	s31 =	sadd.s32 $0x1, s31;
	s0 =	sadd.s32 $0x80, s1;
	[sflag:s9] =	ssyncset.done $0x0  }
0x7a: {  	s1 =	simm.s32 @!p0 $0x80;
	s14 =	rddreg [dreg:$0x6];
	[sflag:s9] =	ssyncadd.s32 $0xFFFFE000  }
0x7b: {  	[tilespmem:s5], [sflag:$0x1] =	stream.indirect.gather @!p0 [hbm4b:s3+s1], $0x40, s0, s1, $0xb8;
	[tilespmem:$0x15900] =	vst v63  }
0x7c: {  	p0 =	sne.s32 s31, s14  }
.Ltmp2:
0x7d: {  	_ = 	snop;
	(pc) =	sbr.rel @p0 .LBB2_1-.Ltmp2, $1  }
0x7e: {  	_ =	sdelay $0x3  }
0x7f: {  	_ =	sfence.sel $0x180000  }
0x80: {  	[bflag:$0x0] =	sbarrier.arrive $0xFFFF  }
0x81: {  	_ =	strace $0x9000004A  }
0x82: {  	s0 =	stileid.u32;
	[bflag:$0x2] =	sbarrier.arrive $0xFFFF  }
0x83: {  	p0 =	sne.s32 s0, $0x0;
	s0 =	rddreg [dreg:$0x3]  }
0x84: {  	s0 =	sadd.s32 @!p0 $0x100000, s0  }
0x85: {  	[sflag:s0] =	ssyncadd.tile.s32 @!p0 $0x1;
	_ =	shalt  }
.Lfunc_end2:
_tile_overlayer_lowered:
.L_overlay_start_2:
0x86: {  	(tag) =	ssettag $0x2  }
0x87: {  	s0 =	rddreg [dreg:$0x0];
	s2 =	stileid.u32  }
0x88: {  	s1 =	rddreg [dreg:$0x1];
	p0 =	sne.s32 s2, $0x0  }
0x89: {  	s3 =	rddreg [dreg:$0x2];
	[bflag:$0x3] =	sbarrier.arrive $0xFFFF;
	s2 =	simm.s32 @!p0 $0x1C02  }
0x8a: {  	[timem:s3], [sflag:s2] =	dma.local @!p0 [hbm:s0], s1  }
0x8b: {  	s0 =	simm.s32 @!p0 $0x2  }
0x8c: {  	_ =	swait.ge @!p0 [sflag:s0], s1  }
0x8d: {  	s1 =	ssub.s32 @!p0 $0x0, s1;
	[sflag:s0] =	ssyncset.done @!p0 $0x0  }
0x8e: {  	[sflag:s0] =	ssyncadd.s32 @!p0 s1  }
0x8f: {  	[bflag:$0x3] =	sbarrier.arrive $0xFFFF  }
0x90: {  	_ =	shalt  }

// kernel: sparse-core-data-format-call.1.cloned.1.call-start
scs
called_computation.1_lowered:
.L_overlay_start_0:
0x0: {  	s2 =	sld [smem:$0x3FD9]  }
0x1: {  	s3 =	sld [smem:$0x3FFE];
	_ =	sdelay $0x1  }
0x2: {  	s1 =	srdreg.scid  }
0x3: {  	s0 =	sand.u32 $0x1, s1  }
0x4: {  	s15 =	sshll.u32 s0, $0xA;
	s2 =	sadd.s32 s3, s2  }
0x5: {  	s2 =	sadd.s32 s2, s15  }
0x6: {  	[smem:$0x3FC5] =	sst s2  }
0x7: {  	_ = 	snop  }
0x8: {  	s2 =	sld [smem:$0x3FD0];
	_ =	sdelay $0x2  }
0x9: {  	s16 =	simm.s32 $0xB;
	s4 =	simm.s32 $0x10  }
0xa: {  	[smem:s4], [sflag:s16] =	dma.local [hbm:s2], $0x1  }
0xb: {  	_ =	swait.eq [sflag:s16], $0x1  }
0xc: {  	[sflag:s16] =	ssyncset.done $0x0  }
0xd: {  	[sflag:s16] =	ssyncadd.s32 $0xFFFFFFFF  }
0xe: {  	s17 =	sld [smem:$0x10];
	(tm) =	ssettm $0x1  }
0xf: {  	s18 =	sld [smem:$0x3FFB];
	_ =	sdelay $0x3  }
0x10: {  	_ =	strace s18  }
0x11: {  	s3 =	sld [smem:$0x3FFC];
	_ =	sdelay $0x3  }
0x12: {  	_ =	strace s3  }
0x13: {  	s3 =	sld [smem:$0x3FFD];
	_ =	sdelay $0x3  }
0x14: {  	_ =	strace s3  }
0x15: {  	_ =	strace $0x8FFFFFFF  }
0x16: {  	s19 =	sld [smem:$0x3FDB];
	_ =	sdelay $0x1  }
0x17: {  	s20 =	simm.s32 $_scs_section_size  }
0x18: {  	s5 =	simm.s32 $_size__tile_overlayer_lowered;
	s6 =	simm.s32 $_tile_overlayer_lowered  }
0x19: {  	s23 =	simm.s32 $0x1BFF;
	s22 =	sshll.u32 s6, $0x1;
	s3 =	sadd.s32 s20, s19  }
0x1a: {  	s7 =	simm.s32 $0x0;
	s21 =	sshll.u32 s5, $0x1;
	s5 =	sadd.s32 s22, s3  }
0x1b: {  	[timem:s7], [sflag:s23] =	dma.local [hbm:s5], s21  }
0x1c: {  	_ =	swait.ge [sflag:s23], s21  }
0x1d: {  	s4 =	ssub.s32 $0x0, s21;
	[sflag:s23] =	ssyncset.done $0x0  }
0x1e: {  	[sflag:s23] =	ssyncadd.s32 s4;
	_ =	sdelay $0x1  }
0x1f: {  	s24 =	simm.s32 $0x1B8B  }
0x20: {  	_ =	swait.ge [sflag:s24], $0x1  }
0x21: {  	[sflag:s24] =	ssyncset.done $0x0  }
0x22: {  	s26 =	simm.s32 $0x1B8E;
	s25 =	sld [smem:$0x3FFE];
	[sflag:s24] =	ssyncadd.s32 $0xFFFFFFFF  }
0x23: {  	s27 =	simm.s32 $execute0_lowered;
	[smem:$0x3FD2] =	sst s26  }
0x24: {  	s5 =	sshll.u32 s27, $0x1;
	_ =	strace $0x8000004C;
	[dreg:$0x1] =	wrdreg $0xFFFFFFFF  }
0x25: {  	s28 =	simm.s32 $_size_execute0_lowered;
	s3 =	sadd.s32 s3, s5;
	[dreg:$0x0] =	wrdreg $0x0  }
0x26: {  	s5 =	sshll.u32 s28, $0x1;
	[dreg:$0x2] =	wrdreg s3  }
0x27: {  	[dreg:$0x3] =	wrdreg s5  }
0x28: {  	[dreg:$0x4] =	wrdreg $0xC0  }
0x29: {  	_ =	task [dreg:s7], $0x5FFFF  }
0x2a: {  	[dreg:$0x1] =	wrdreg $0xFFFFFFFF  }
0x2b: {  	[dreg:$0x0] =	wrdreg $0x60  }
0x2c: {  	[dreg:$0x2] =	wrdreg s25  }
0x2d: {  	[dreg:$0x3] =	wrdreg s17  }
0x2e: {  	[dreg:$0x4] =	wrdreg $0xA  }
0x2f: {  	_ =	task.clear_ibuf [dreg:s7], $0x5FFFF;
	_ =	strace $0x9000004C  }
0x30: {  	s29 =	simm.s32 $0xA;
	_ =	strace $0x8000004E  }
0x31: {  	_ =	swait.ge [sflag:s29], $0x1  }
0x32: {  	[sflag:s29] =	ssyncadd.s32 $0xFFFFFFFF  }
0x33: {  	_ =	strace $0x9000004E  }
0x34: {  	_ =	sfence  }
0x35: {  	s30 =	sld [smem:$0x0];
	_ =	sdelay $0x2  }
0x36: {  	s31 =	sshll.u32 s1, $0xD;
	s1 =	sshrl.u32 s1, $0x2  }
0x37: {  	s3 =	sand.u32 $0x4000, s31;
	s1 =	sadd.s32 s1, s30  }
0x38: {  	s0 =	sor.u32 s3, s0;
	s1 =	sshll.u32 s1, $0x11  }
0x39: {  	s0 =	sor.u32 s1, s0  }
0x3a: {  	s0 =	sadd.s32 $0x8F2B, s0  }
0x3b: {  	[sflag:s0] =	ssyncadd.remote.s32 $0x1  }
0x3c: {  	_ =	sfence.sel $0xFFFF  }
0x3d: {  	[dreg:$0x0] =	wrdreg $0xFFFFFFFF;
	(pc) =	sbr.abs _section_cstart, $3  }
0x3e: {  	[dreg:$0x1] =	wrdreg $0xFFFFFFFF  }
0x3f: {  	_ =	task.clear_ibuf [dreg:s7], $0x2FFFF;
	_ =	strace $0x9FFFFFFF  }
0x40: {  	(tm) =	ssettm $0x7FFFFFFF  }
0x41: {  	_ =	shalt  }
tec
execute0_lowered:
.L_overlay_start_1:
0x0: {  	(tag) =	ssettag $0x1  }
0x1: {  	s0 =	srdreg.scid  }
0x2: {  	s1 =	sshll.u32 s0, $0x4  }
0x3: {  	s5 =	rddreg [dreg:$0x0];
	s0 =	stileid.u32;
	s1 =	sand.u32 $0x10, s1  }
0x4: {  	s3 =	rddreg [dreg:$0x1];
	s31 =	simm.s32 $0x2;
	s4 =	sor.u32 s0, s1  }
0x5: {  	s13 =	simm.s32 $0x0;
	s9 =	simm.s32 $0x400;
	s2 =	sshll.u32 s4, $0x7  }
0x6: {  	s10 =	simm.s32 $0x8000;
	s14 =	simm.s32 $0x0;
	s6 =	ssub.s32 $0x1000, s2  }
0x7: {  	s1 =	rddreg [dreg:$0x2];
	_ =	strace $0x8000004D;
	s7 =	sand.u32 $0xF80, s6  }
0x8: {  	s4 =	sshll.u32 s4, $0xB;
	p0 =	sne.s32 s7, $0x0;
	s7 =	simm.s32 $0x1  }
.Ltmp0:
0x9: {  	s6 =	sshrl.u32 s6, $0xC;
	s7 =	simm.s32 @!p0 $0x0;
	(pc) =	sbr.rel .LBB1_1-.Ltmp0, $4  }
0xa: {  	s8 =	sadd.s32 s4, s5;
	s4 =	simm.s32 $0x1;
	s30 =	sadd.s32 s7, s6  }
0xb: {  	s11 =	simm.s32 $0x0;
	[sflag:s4] =	ssyncpa.u1 $0x0;
	s5 =	smul.u32 $0x19, s30  }
0xc: {  	s12 =	simm.s32 $0x0;
	[sflag:s31] =	ssyncpa.u1 $0x0;
	p0 =	por $0x0, $0x0  }
0xd: {  	s6 =	sadd.s32 $0x1C00, s8;
	s7 =	sadd.s32 $0x11C00, s8;
	s8 =	sadd.s32 $0x1, s5  }
.LBB1_7:
0xe: {  	s15 =	sadd.s32 $0x2, s11  }
0xf: {  	p2 =	sgt.s32 s15, $0x31  }
0x10: {  	s15 =	simm.s32 @p2 $0x0;
	p2 =	sne.s32 s12, s8  }
.Ltmp1:
0x11: {  	p1 =	slt.u32 s12, $0x2;
	(pc) =	sbr.rel @!p2 .LBB1_8-.Ltmp1, $4  }
0x12: {  	s13 =	simm.s32 @!p1 $0x2  }
0x13: {  	s16 =	sadd.s32 $0x1, s12;
	s14 =	smov.u32 s11;
	_ =	swait.ge @!p1 [sflag:s13], $0x4000  }
0x14: {  	p0 =	por !p0, !p0;
	s12 =	smov.u32 s16;
	[sflag:s13] =	ssyncset.done @!p1 $0x0  }
0x15: {  	s11 =	smov.u32 s15;
	[sflag:s13] =	ssyncadd.s32 @!p1 $0xFFFFC000;
	s13 =	smov.u32 s2  }
.LBB1_1:
0x16: {  	p1 =	sge.u32 s12, s5  }
0x17: {  	s15 =	sxor.u32 @!p1 $0xFFFFFFFF, s12  }
0x18: {  	s16 =	sshll.u32 @!p1 s11, $0x10;
	s18 =	simm.s32 @!p1 $0x40;
	s15 =	sshll.u32 @!p1 s15, $0xE  }
0x19: {  	s19 =	simm.s32 @!p1 $0x80;
	s17 =	sadd.s32 @!p1 s16, s6;
	s15 =	sand.u32 @!p1 $0x4000, s15  }
0x1a: {  	[tilespmem:s15], [sflag:$0x1] =	stream.strided.gather @!p1 [hbm4b:s17+s18], $0x2000, s19, s18, $0x38;
	[tilespmem:$0x10100] =	vst v63  }
0x1b: {  	s31 =	sadd.s32 $0xFFFFFFFF, s12;
	s16 =	sadd.s32 @!p1 s16, s7;
	s15 =	sor.u32 @!p1 $0x2000, s15  }
0x1c: {  	[tilespmem:s15], [sflag:$0x1] =	stream.strided.gather @!p1 [hbm4b:s16+s18], $0x2000, s19, s18, $0x38;
	[tilespmem:$0x10100] =	vst v63  }
0x1d: {  	p1 =	sge.u32 s31, s5  }
.Ltmp2:
0x1e: {  	_ = 	snop;
	(pc) =	sbr.rel @p1 .LBB1_7-.Ltmp2, $1  }
0x1f: {  	_ =	sdelay $0x3  }
0x20: {  	s15 =	simm.s32 $0x1;
	s17 =	sand.u32 $0x1, s12  }
0x21: {  	_ =	swait.ge [sflag:s4], $0x4000;
	s15 =	simm.s32 @!p0 $0x0;
	s17 =	smul.u32 $0x10200, s17  }
0x22: {  	p2 =	por $0x1, $0x1;
	[sflag:s4] =	ssyncset.done $0x0;
	s16 =	smul.u32 $0x10200, s15  }
0x23: {  	s18 =	sshll.u32 s15, $0x10;
	[sflag:s4] =	ssyncadd.s32 $0xFFFFC000;
	s30 =	sshrl.u32 s17, $0x2  }
0x24: {  	s31 =	sshrl.u32 s18, $0x2;
	s18 =	simm.s32 $0x0;
	s16 =	sshrl.u32 s16, $0x2  }
0x25: {  	s15 =	sor.u32 $0x8000, s30;
	s17 =	sadd.s32 $0x20, s31;
	s16 =	sor.u32 $0x8000, s16  }
.LBB1_3:
0x26: {  	s19 =	sshll.u32 s18, $0xD  }
0x27: {  	s19 =	sand.u32 $0x3FFFE000, s19  }
0x28: {  	s21 =	sadd.s32 s19, s17  }
0x29: {  	s31 =	smul.u32 $0x8100, s18;
	v3 =	vld [tilespmem:s21+$0x10]  }
0x2a: {  	v1 =	vld [tilespmem:s21+$0xFFFFFFF0]  }
0x2b: {  	s18 =	sshra.s32 s31, $0x2;
	v0 =	vld [tilespmem:s21+$0x0]  }
0x2c: {  	s18 =	sadd.s32 s18, s16;
	v2 =	vld [tilespmem:s21+$0xFFFFFFE0]  }
0x2d: {  	s19 =	sadd.s32 $0x0, s18  }
0x2e: {  	p1 =	por p2, p2;
	s20 =	simm.s32 $0x4;
	s21 =	sadd.s32 $0x40, s21;
	[tilespmem:s19+$0x1830 ss:$0x81] =	vst.msk $0xffff, v3  }
.LBB1_4:
0x2f: {  	v3 =	vld [tilespmem:s21+$0x10];
	p2 =	sne.s32 s20, $0x1FC;
	[tilespmem:s19+$0x810 ss:$0x81] =	vst.msk $0xffff, v1;
	s22 =	smov.u32 s20;
	s20 =	sadd.s32 $0x4, s20  }
.Ltmp3:
0x30: {  	v1 =	vld [tilespmem:s21+$0xFFFFFFF0];
	[tilespmem:s19+$0x1020 ss:$0x81] =	vst.msk $0xffff, v0;
	(pc) =	sbr.rel @p2 .LBB1_4-.Ltmp3, $4  }
0x31: {  	v0 =	vld [tilespmem:s21+$0x0];
	[tilespmem:s19+$0x0 ss:$0x81] =	vst.msk $0xffff, v2  }
0x32: {  	s19 =	sshra.s32 s22, $0x2;
	v2 =	vld [tilespmem:s21+$0xFFFFFFE0]  }
0x33: {  	s19 =	sadd.s32 s19, s18  }
0x34: {  	s21 =	sadd.s32 $0x40, s21;
	[tilespmem:s19+$0x1830 ss:$0x81] =	vst.msk $0xffff, v3  }
.Ltmp4:
0x35: {  	(pc) =	sbr.rel @p1 .LBB1_3-.Ltmp4, $4  }
0x36: {  	_ = 	snop  }
0x37: {  	[tilespmem:s19+$0x810 ss:$0x81] =	vst.msk $0xffff, v1  }
0x38: {  	[tilespmem:s19+$0x1020 ss:$0x81] =	vst.msk $0xffff, v0  }
0x39: {  	s18 =	simm.s32 $0x1;
	p2 =	por $0x0, $0x0;
	[tilespmem:s19+$0x0 ss:$0x81] =	vst.msk $0xffff, v2  }
.Ltmp5:
0x3a: {  	(pc) =	sbr.rel .LBB1_7-.Ltmp5, $4  }
0x3b: {  	s14 =	sshll.u32 s14, $0xF  }
0x3c: {  	s14 =	sadd.s32 s3, s14  }
0x3d: {  	s13 =	sadd.s32 s13, s14  }
0x3e: {  	[hbm4b:s13+s9] =	stream.strided.scatter [tilespmem:s15], [sflag:$0x2], $0x4000, s10, s9, $0x20;
	[tilespmem:$0x10100] =	vst v63  }
.LBB1_8:
0x3f: {  	_ =	sfence.sel $0x180000  }
0x40: {  	s2 =	simm.s32 $0x1;
	[bflag:$0x0] =	sbarrier.arrive $0xFFFF  }
0x41: {  	s31 =	simm.s32 $0x2;
	[sflag:s2] =	ssyncpa.u1 $0x1  }
0x42: {  	[sflag:s31] =	ssyncpa.u1 $0x1  }
0x43: {  	p0 =	sne.s32 s0, $0x0;
	_ =	strace $0x9000004D  }
0x44: {  	s0 =	sadd.s32 @!p0 $0x100000, s1;
	[bflag:$0x2] =	sbarrier.arrive $0xFFFF  }
0x45: {  	[sflag:s0] =	ssyncadd.tile.s32 @!p0 $0x1;
	_ =	shalt  }
.Lfunc_end1:
_tile_overlayer_lowered:
.L_overlay_start_2:
0x46: {  	(tag) =	ssettag $0x2  }
0x47: {  	s0 =	rddreg [dreg:$0x0];
	s2 =	stileid.u32  }
0x48: {  	s1 =	rddreg [dreg:$0x1];
	p0 =	sne.s32 s2, $0x0  }
0x49: {  	s3 =	rddreg [dreg:$0x2];
	[bflag:$0x3] =	sbarrier.arrive $0xFFFF;
	s2 =	simm.s32 @!p0 $0x1C01  }
0x4a: {  	[timem:s3], [sflag:s2] =	dma.local @!p0 [hbm:s0], s1  }
0x4b: {  	s0 =	simm.s32 @!p0 $0x1  }
0x4c: {  	_ =	swait.ge @!p0 [sflag:s0], s1  }
0x4d: {  	s1 =	ssub.s32 @!p0 $0x0, s1;
	[sflag:s0] =	ssyncset.done @!p0 $0x0  }
0x4e: {  	[sflag:s0] =	ssyncadd.s32 @!p0 s1  }
0x4f: {  	[bflag:$0x3] =	sbarrier.arrive $0xFFFF  }
0x50: {  	_ =	shalt  }

// kernel: sparse-core-data-format-call.2.cloned.1.call-start
scs
called_computation.2_lowered:
.L_overlay_start_0:
0x0: {  	s2 =	sld [smem:$0x3FD9]  }
0x1: {  	s3 =	sld [smem:$0x3FFE];
	_ =	sdelay $0x1  }
0x2: {  	s1 =	srdreg.scid  }
0x3: {  	s0 =	sand.u32 $0x1, s1  }
0x4: {  	s18 =	sshll.u32 s0, $0xA;
	s2 =	sadd.s32 s3, s2  }
0x5: {  	s2 =	sadd.s32 s2, s18  }
0x6: {  	[smem:$0x3FC5] =	sst s2  }
0x7: {  	_ = 	snop  }
0x8: {  	s2 =	sld [smem:$0x3FC7];
	(tm) =	ssettm $0x1  }
0x9: {  	s19 =	sld [smem:$0x3FFB];
	_ =	sdelay $0x3  }
0xa: {  	_ =	strace s19  }
0xb: {  	s3 =	sld [smem:$0x3FFC];
	_ =	sdelay $0x3  }
0xc: {  	_ =	strace s3  }
0xd: {  	s3 =	sld [smem:$0x3FFD];
	_ =	sdelay $0x3  }
0xe: {  	_ =	strace s3  }
0xf: {  	_ =	strace $0x8FFFFFFF  }
0x10: {  	s20 =	sld [smem:$0x3FDB];
	_ =	sdelay $0x1  }
0x11: {  	s4 =	simm.s32 $_scs_section_size  }
0x12: {  	s5 =	simm.s32 $_size__tile_overlayer_lowered;
	s6 =	simm.s32 $_tile_overlayer_lowered  }
0x13: {  	s23 =	simm.s32 $0x1BFF;
	s22 =	sshll.u32 s6, $0x1;
	s3 =	sadd.s32 s4, s20  }
0x14: {  	s7 =	simm.s32 $0x0;
	s21 =	sshll.u32 s5, $0x1;
	s5 =	sadd.s32 s22, s3  }
0x15: {  	[timem:s7], [sflag:s23] =	dma.local [hbm:s5], s21  }
0x16: {  	_ =	swait.ge [sflag:s23], s21  }
0x17: {  	s4 =	ssub.s32 $0x0, s21;
	[sflag:s23] =	ssyncset.done $0x0  }
0x18: {  	[sflag:s23] =	ssyncadd.s32 s4;
	_ =	sdelay $0x1  }
0x19: {  	s24 =	simm.s32 $0x1B8B  }
0x1a: {  	_ =	swait.ge [sflag:s24], $0x1  }
0x1b: {  	[sflag:s24] =	ssyncset.done $0x0  }
0x1c: {  	s26 =	simm.s32 $0x1B8E;
	s25 =	sld [smem:$0x3FFE];
	[sflag:s24] =	ssyncadd.s32 $0xFFFFFFFF  }
0x1d: {  	s27 =	simm.s32 $execute0_lowered;
	[smem:$0x3FD2] =	sst s26  }
0x1e: {  	s5 =	sshll.u32 s27, $0x1;
	_ =	strace $0x80000046;
	[dreg:$0x1] =	wrdreg $0xFFFFFFFF  }
0x1f: {  	s28 =	simm.s32 $_size_execute0_lowered;
	s3 =	sadd.s32 s3, s5;
	[dreg:$0x0] =	wrdreg $0x0  }
0x20: {  	s5 =	sshll.u32 s28, $0x1;
	[dreg:$0x2] =	wrdreg s3  }
0x21: {  	[dreg:$0x3] =	wrdreg s5  }
0x22: {  	[dreg:$0x4] =	wrdreg $0xC0  }
0x23: {  	_ =	task [dreg:s7], $0x5FFFF  }
0x24: {  	[dreg:$0x1] =	wrdreg $0xFFFFFFFF  }
0x25: {  	[dreg:$0x0] =	wrdreg $0x60  }
0x26: {  	[dreg:$0x2] =	wrdreg s2  }
0x27: {  	[dreg:$0x3] =	wrdreg s25  }
0x28: {  	[dreg:$0x4] =	wrdreg $0x9  }
0x29: {  	_ =	task.clear_ibuf [dreg:s7], $0x5FFFF;
	_ =	strace $0x90000046  }
0x2a: {  	s29 =	simm.s32 $0x9;
	_ =	strace $0x80000048  }
0x2b: {  	_ =	swait.ge [sflag:s29], $0x1  }
0x2c: {  	[sflag:s29] =	ssyncadd.s32 $0xFFFFFFFF  }
0x2d: {  	_ =	strace $0x90000048  }
0x2e: {  	_ =	sfence  }
0x2f: {  	s30 =	sld [smem:$0x0];
	_ =	sdelay $0x2  }
0x30: {  	s31 =	sshll.u32 s1, $0xD;
	s1 =	sshrl.u32 s1, $0x2  }
0x31: {  	s3 =	sand.u32 $0x4000, s31;
	s1 =	sadd.s32 s1, s30  }
0x32: {  	s0 =	sor.u32 s3, s0;
	s1 =	sshll.u32 s1, $0x11  }
0x33: {  	s0 =	sor.u32 s1, s0  }
0x34: {  	s0 =	sadd.s32 $0x8F2B, s0  }
0x35: {  	[sflag:s0] =	ssyncadd.remote.s32 $0x1  }
0x36: {  	_ =	sfence.sel $0xFFFF  }
0x37: {  	[dreg:$0x0] =	wrdreg $0xFFFFFFFF;
	(pc) =	sbr.abs _section_cstart, $3  }
0x38: {  	[dreg:$0x1] =	wrdreg $0xFFFFFFFF  }
0x39: {  	_ =	task.clear_ibuf [dreg:s7], $0x2FFFF;
	_ =	strace $0x9FFFFFFF  }
0x3a: {  	(tm) =	ssettm $0x7FFFFFFF  }
0x3b: {  	_ =	shalt  }
tec
execute0_lowered:
.L_overlay_start_1:
0x0: {  	(tag) =	ssettag $0x1  }
0x1: {  	s0 =	srdreg.scid;
	s2 =	rddreg [dreg:$0x0]  }
0x2: {  	s5 =	rddreg [dreg:$0x1];
	s1 =	stileid.u32  }
0x3: {  	s4 =	simm.s32 $0x1;
	s6 =	simm.s32 $0x2;
	s15 =	simm.s32 $0x0  }
0x4: {  	p0 =	por $0x0, $0x0;
	s8 =	simm.s32 $0x80;
	s0 =	sshll.u32 s0, $0x4  }
0x5: {  	s14 =	simm.s32 $0x0;
	s9 =	simm.s32 $0x0;
	s3 =	sand.u32 $0x10, s0  }
.Ltmp0:
0x6: {  	s10 =	simm.s32 $0x0;
	s3 =	sor.u32 s1, s3;
	(pc) =	sbr.rel .LBB1_1-.Ltmp0, $4  }
0x7: {  	s0 =	rddreg [dreg:$0x2];
	_ =	strace $0x80000047;
	s3 =	sshll.u32 s3, $0x7  }
0x8: {  	s12 =	simm.s32 $0x0;
	[sflag:s4] =	ssyncpa.u1 $0x0;
	s7 =	ssub.s32 $0xF4200, s3  }
0x9: {  	s13 =	simm.s32 $0x0;
	[sflag:s6] =	ssyncpa.u1 $0x0;
	s6 =	sshrl.u32 s7, $0xC  }
0xa: {  	s5 =	sadd.s32 $0x1C00, s5;
	s11 =	smov.u32 s3;
	s7 =	sadd.s32 $0x2, s6  }
.LBB1_5:
0xb: {  	p1 =	slt.u32 s13, $0x2  }
0xc: {  	s17 =	smov.u32 s15;
	p2 =	sgt.s32 @!p1 s15, $0xF41C0;
	s16 =	sshra.s32 @!p1 s15, $0x1F  }
0xd: {  	p3 =	sgt.s32 @!p1 s14, $0x40;
	s18 =	sshra.s32 @!p1 s14, $0x1F;
	p2 =	por !p2, p1  }
0xe: {  	s15 =	sand.u32 @!p1 s16, s15;
	p3 =	por !p3, p1;
	s16 =	smov.u32 s14  }
0xf: {  	s14 =	sand.u32 @!p1 s18, s14;
	s17 =	simm.s32 @p2 $0xF41C0;
	s16 =	simm.s32 @p3 $0x40  }
0x10: {  	s15 =	ssub.s32 @!p1 s17, s15;
	s14 =	ssub.s32 @!p1 s16, s14  }
0x11: {  	s18 =	smov.u32 s12;
	s16 =	sadd.s32 @!p1 $0xFFF0BE40, s15;
	s17 =	sadd.s32 @!p1 $0xFFFFFFC0, s14  }
0x12: {  	s15 =	ssub.s32 @!p1 $0xF4240, s15;
	p2 =	sgt.s32 @!p1 s16, $0x7F;
	p3 =	sgt.s32 @!p1 s17, $0x3F  }
0x13: {  	s14 =	ssub.s32 @!p1 $0x80, s14;
	p2 =	por !p2, p1;
	p3 =	por !p3, p1  }
0x14: {  	s16 =	sadd.s32 $0x1000, s11;
	s15 =	simm.s32 @!p2 $0x0;
	s14 =	simm.s32 @!p3 $0x0  }
0x15: {  	p2 =	sgt.s32 s16, $0xF423F;
	s14 =	smul.u32 @!p1 s14, s15;
	s15 =	sadd.s32 $0x40, s12  }
0x16: {  	s18 =	smov.u32 @p2 s15  }
0x17: {  	s16 =	smov.u32 @p2 s3;
	p2 =	sgt.s32 s18, $0x3F  }
0x18: {  	s18 =	simm.s32 @p2 $0x0;
	p2 =	sne.s32 s13, s7  }
.Ltmp1:
0x19: {  	p0 =	por !p0, !p0;
	s17 =	simm.s32 @!p1 $0x2;
	(pc) =	sbr.rel @!p2 .LBB1_6-.Ltmp1, $4  }
0x1a: {  	s15 =	smov.u32 s9;
	s9 =	smov.u32 s11;
	s14 =	sand.u32 @!p1 $0x3FFFFFFF, s14  }
0x1b: {  	s11 =	smov.u32 s16;
	_ =	swait.ge @!p1 [sflag:s17], s14;
	s19 =	ssub.s32 @!p1 $0x0, s14  }
0x1c: {  	s14 =	smov.u32 s10;
	s13 =	sadd.s32 $0x1, s13;
	[sflag:s17] =	ssyncset.done @!p1 $0x0  }
0x1d: {  	s10 =	smov.u32 s12;
	s12 =	smov.u32 s18;
	[sflag:s17] =	ssyncadd.s32 @!p1 s19  }
.LBB1_1:
0x1e: {  	p1 =	sgt.u32 s13, s6  }
0x1f: {  	s16 =	sshrl.u32 @!p1 s12, $0x3  }
0x20: {  	s17 =	sshll.u32 @!p1 s11, $0x3;
	s16 =	smul.u32 @!p1 $0x7A1400, s16  }
0x21: {  	s18 =	sshll.u32 @!p1 s12, $0x7;
	s17 =	sand.u32 @!p1 $0xFFFFFC00, s17  }
0x22: {  	s16 =	sadd.s32 @!p1 s16, s17;
	s17 =	sand.u32 @!p1 $0x380, s18  }
0x23: {  	s18 =	sand.u32 @!p1 $0x7F, s11;
	s16 =	sor.u32 @!p1 s17, s16  }
0x24: {  	s17 =	sor.u32 @!p1 s18, s16  }
0x25: {  	s18 =	smulhi.u32 @!p1 $0x218D6287, s17;
	_ =	sdelay $0x1  }
0x26: {  	s16 =	smulhi.u32 @!p1 $0x218D6287, s16;
	s18 =	sshrl.u32 @!p1 s18, $0x11  }
0x27: {  	s18 =	smul.u32 @!p1 $0xF4280, s18  }
0x28: {  	s19 =	sxor.u32 @!p1 $0xFFFFFFFF, s13;
	s16 =	sshrl.u32 @!p1 s16, $0x11  }
0x29: {  	s19 =	sshll.u32 @!p1 s19, $0xD;
	s16 =	sand.u32 @!p1 $0x3F, s16;
	s17 =	ssub.s32 @!p1 s17, s18  }
0x2a: {  	s16 =	smul.u32 @!p1 $0x1E850, s16;
	s18 =	sshrl.u32 @!p1 s17, $0x3;
	s17 =	sand.u32 @!p1 $0x7, s17  }
0x2b: {  	s19 =	sand.u32 @!p1 $0x2000, s19;
	s18 =	sadd.s32 @!p1 s2, s18;
	s17 =	sshll.u32 @!p1 s17, $0x12  }
0x2c: {  	s16 =	sadd.s32 @!p1 s16, s18;
	s17 =	sor.u32 @!p1 $0x400, s17;
	s18 =	simm.s32 @!p1 $0x7A1400  }
0x2d: {  	[tilespmem:s19], [sflag:$0x1] =	stream.strided.gather @!p1 [hbm4b:s16+s17], $0x2000, s18, s17, $0x38;
	[tilespmem:$0x8100] =	vst v63  }
0x2e: {  	p1 =	seq.s32 s13, $0x0  }
0x2f: {  	p2 =	sge.u32 @!p1 s13, s7  }
0x30: {  	p1 =	por p1, p2  }
.Ltmp2:
0x31: {  	_ = 	snop;
	(pc) =	sbr.rel @p1 .LBB1_5-.Ltmp2, $1  }
0x32: {  	_ =	sdelay $0x3  }
0x33: {  	s16 =	simm.s32 $0x1  }
0x34: {  	_ =	swait.ge [sflag:s4], $0x2000;
	s16 =	simm.s32 @!p0 $0x0  }
0x35: {  	[sflag:s4] =	ssyncset.done $0x0;
	s17 =	sshll.u32 s16, $0xD  }
0x36: {  	[sflag:s4] =	ssyncadd.s32 $0xFFFFE000;
	s17 =	sor.u32 $0x40, s17  }
0x37: {  	s16 =	smul.u32 $0x8200, s16;
	v0 =	vld [tilespmem:s17+$0x30]  }
0x38: {  	v1 =	vld [tilespmem:s17+$0xFFFFFFD0]  }
0x39: {  	s16 =	sshrl.u32 s16, $0x2;
	v5 =	vld [tilespmem:s17+$0xFFFFFFE0]  }
0x3a: {  	v6 =	vld [tilespmem:s17+$0xFFFFFFF0];
	s19 =	sor.u32 $0x4000, s16  }
0x3b: {  	s31 =	sand.u32 $0x1, s13;
	v4 =	vld [tilespmem:s17+$0x0];
	s18 =	sadd.s32 $0x0, s19  }
0x3c: {  	v3 =	vld [tilespmem:s17+$0x10];
	s16 =	smul.u32 $0x8200, s31;
	[tilespmem:s18+$0x1C70 ss:$0x41] =	vst.msk $0xffff, v0  }
0x3d: {  	v2 =	vld [tilespmem:s17+$0x20];
	[tilespmem:s18+$0x410 ss:$0x41] =	vst.msk $0xffff, v1  }
0x3e: {  	s16 =	sshrl.u32 s16, $0x2;
	v1 =	vld [tilespmem:s17+$0xFFFFFFC0];
	[tilespmem:s18+$0x820 ss:$0x41] =	vst.msk $0xffff, v5;
	s17 =	sadd.s32 $0x80, s17  }
0x3f: {  	s20 =	simm.s32 $0x4;
	s21 =	simm.s32 $0x8;
	s16 =	sor.u32 $0x4000, s16;
	[tilespmem:s18+$0xC30 ss:$0x41] =	vst.msk $0xffff, v6;
	v0 =	vld [tilespmem:s17+$0x30]  }
.LBB1_3:
0x40: {  	p1 =	sne.s32 s21, $0xFC;
	v5 =	vld [tilespmem:s17+$0xFFFFFFD0];
	[tilespmem:s18+$0x1040 ss:$0x41] =	vst.msk $0xffff, v4  }
0x41: {  	v6 =	vld [tilespmem:s17+$0xFFFFFFE0];
	[tilespmem:s18+$0x1450 ss:$0x41] =	vst.msk $0xffff, v3  }
0x42: {  	s22 =	sshra.s32 s20, $0x2;
	s20 =	smov.u32 s21;
	v7 =	vld [tilespmem:s17+$0xFFFFFFF0];
	[tilespmem:s18+$0x1860 ss:$0x41] =	vst.msk $0xffff, v2  }
.Ltmp3:
0x43: {  	v4 =	vld [tilespmem:s17+$0x0];
	[tilespmem:s18+$0x0 ss:$0x41] =	vst.msk $0xffff, v1;
	s18 =	sadd.s32 s22, s19;
	(pc) =	sbr.rel @p1 .LBB1_3-.Ltmp3, $4  }
0x44: {  	v3 =	vld [tilespmem:s17+$0x10];
	[tilespmem:s18+$0x1C70 ss:$0x41] =	vst.msk $0xffff, v0  }
0x45: {  	[tilespmem:s18+$0x410 ss:$0x41] =	vst.msk $0xffff, v5;
	v2 =	vld [tilespmem:s17+$0x20]  }
0x46: {  	v1 =	vld [tilespmem:s17+$0xFFFFFFC0];
	[tilespmem:s18+$0x820 ss:$0x41] =	vst.msk $0xffff, v6;
	s17 =	sadd.s32 $0x80, s17  }
0x47: {  	s21 =	sadd.s32 $0x4, s21;
	v0 =	vld [tilespmem:s17+$0x30];
	[tilespmem:s18+$0xC30 ss:$0x41] =	vst.msk $0xffff, v7  }
0x48: {  	s21 =	sshll.u32 s9, $0x7;
	s22 =	sshll.u32 s10, $0x3;
	s20 =	sshra.s32 s20, $0x2  }
0x49: {  	p1 =	sgt.s32 s9, $0xF41C0;
	s30 =	sshra.s32 s9, $0x1F;
	s25 =	sshra.s32 s10, $0x1F  }
0x4a: {  	v5 =	vld [tilespmem:s17+$0xFFFFFFD0];
	s28 =	sshrl.u32 s10, $0x3;
	s23 =	sand.u32 $0xFFFFFC00, s21;
	s22 =	sand.u32 $0xFFFFFC00, s22  }
0x4b: {  	[tilespmem:s18+$0x1040 ss:$0x41] =	vst.msk $0xffff, v4;
	v58 =	vld [tilespmem:s17+$0xFFFFFFE0];
	s21 =	sand.u32 $0x380, s21;
	s19 =	sadd.s32 s20, s19;
	s22 =	sadd.s32 s22, s23  }
0x4c: {  	v59 =	vld [tilespmem:s17+$0xFFFFFFF0];
	[tilespmem:s18+$0x1450 ss:$0x41] =	vst.msk $0xffff, v3;
	s29 =	sor.u32 s21, s22;
	s21 =	smov.u32 s9;
	s22 =	sand.u32 s30, s9  }
0x4d: {  	v60 =	vld [tilespmem:s17+$0x0];
	[tilespmem:s18+$0x1860 ss:$0x41] =	vst.msk $0xffff, v2;
	s30 =	sand.u32 $0x7, s10;
	s20 =	sshrl.u32 s29, $0x7;
	s21 =	simm.s32 @!p1 $0xF41C0  }
0x4e: {  	v61 =	vld [tilespmem:s17+$0x10];
	[tilespmem:s18+$0x0 ss:$0x41] =	vst.msk $0xffff, v1;
	p1 =	sgt.s32 s10, $0x40;
	s24 =	ssub.s32 s21, s22;
	s21 =	smov.u32 s10  }
0x4f: {  	v62 =	vld [tilespmem:s17+$0x20];
	[tilespmem:s19+$0x1C70 ss:$0x41] =	vst.msk $0xffff, v0;
	s31 =	smulhi.u32 $0x218DEF5, s20;
	s22 =	sand.u32 s25, s10;
	s21 =	simm.s32 @!p1 $0x40  }
0x50: {  	v63 =	vld [tilespmem:s17+$0xFFFFFFC0];
	[tilespmem:s19+$0x410 ss:$0x41] =	vst.msk $0xffff, v5;
	s26 =	sadd.s32 $0xFFF0BE40, s24;
	s17 =	ssub.s32 $0xF4240, s24;
	s21 =	ssub.s32 s21, s22  }
0x51: {  	[tilespmem:s19+$0x820 ss:$0x41] =	vst.msk $0xffff, v58;
	s23 =	sshrl.u32 s31, $0xD;
	p1 =	sgt.s32 s26, $0x7F;
	s27 =	sadd.s32 $0xFFFFFFC0, s21  }
0x52: {  	[tilespmem:s19+$0xC30 ss:$0x41] =	vst.msk $0xffff, v59;
	s23 =	smul.u32 $0xF4240, s23;
	s18 =	ssub.s32 $0x80, s21;
	p2 =	sgt.s32 s27, $0x3F  }
.Ltmp4:
0x53: {  	[tilespmem:s19+$0x1040 ss:$0x41] =	vst.msk $0xffff, v60;
	s17 =	simm.s32 @p1 $0x0;
	s18 =	simm.s32 @p2 $0x0;
	(pc) =	sbr.rel .LBB1_5-.Ltmp4, $4  }
0x54: {  	s29 =	sand.u32 $0xF, s28;
	[tilespmem:s19+$0x1450 ss:$0x41] =	vst.msk $0xffff, v61;
	s20 =	ssub.s32 s20, s23;
	s17 =	smul.u32 s18, s17  }
0x55: {  	[tilespmem:s19+$0x1860 ss:$0x41] =	vst.msk $0xffff, v62;
	s21 =	sshll.u32 s30, $0x12;
	s20 =	sshll.u32 s20, $0x4;
	s18 =	sadd.s32 s5, s29  }
0x56: {  	[tilespmem:s19+$0x0 ss:$0x41] =	vst.msk $0xffff, v63;
	s31 =	sor.u32 $0x40, s21;
	s18 =	sadd.s32 s20, s18;
	s17 =	sand.u32 $0x3FFFFFFF, s17  }
0x57: {  	[hbm4b:s18+s31] =	stream.strided.scatter [tilespmem:s16], [sflag:$0x2], s17, s8, s31, $0x18;
	[tilespmem:$0x8100] =	vst v63  }
.LBB1_6:
0x58: {  	_ =	sfence.sel $0x180000  }
0x59: {  	s2 =	simm.s32 $0x1;
	[bflag:$0x0] =	sbarrier.arrive $0xFFFF  }
0x5a: {  	s31 =	simm.s32 $0x2;
	[sflag:s2] =	ssyncpa.u1 $0x1  }
0x5b: {  	[sflag:s31] =	ssyncpa.u1 $0x1  }
0x5c: {  	p0 =	sne.s32 s1, $0x0;
	_ =	strace $0x90000047  }
0x5d: {  	s0 =	sadd.s32 @!p0 $0x100000, s0;
	[bflag:$0x2] =	sbarrier.arrive $0xFFFF  }
0x5e: {  	[sflag:s0] =	ssyncadd.tile.s32 @!p0 $0x1;
	_ =	shalt  }
.Lfunc_end1:
_tile_overlayer_lowered:
.L_overlay_start_2:
0x5f: {  	(tag) =	ssettag $0x2  }
0x60: {  	s0 =	rddreg [dreg:$0x0];
	s2 =	stileid.u32  }
0x61: {  	s1 =	rddreg [dreg:$0x1];
	p0 =	sne.s32 s2, $0x0  }
0x62: {  	s3 =	rddreg [dreg:$0x2];
	[bflag:$0x3] =	sbarrier.arrive $0xFFFF;
	s2 =	simm.s32 @!p0 $0x1C01  }
0x63: {  	[timem:s3], [sflag:s2] =	dma.local @!p0 [hbm:s0], s1  }
0x64: {  	s0 =	simm.s32 @!p0 $0x1  }
0x65: {  	_ =	swait.ge @!p0 [sflag:s0], s1  }
0x66: {  	s1 =	ssub.s32 @!p0 $0x0, s1;
	[sflag:s0] =	ssyncset.done @!p0 $0x0  }
0x67: {  	[sflag:s0] =	ssyncadd.s32 @!p0 s1  }
0x68: {  	[bflag:$0x3] =	sbarrier.arrive $0xFFFF  }
0x69: {  	_ =	shalt  }

// kernel: sparse-core-data-format-call.cloned.1.call-start
scs
called_computation_lowered:
.L_overlay_start_0:
0x0: {  	s2 =	sld [smem:$0x3FD9]  }
0x1: {  	s3 =	sld [smem:$0x3FFE];
	_ =	sdelay $0x1  }
0x2: {  	s1 =	srdreg.scid  }
0x3: {  	s0 =	sand.u32 $0x1, s1  }
0x4: {  	s16 =	sshll.u32 s0, $0xA;
	s2 =	sadd.s32 s3, s2  }
0x5: {  	s2 =	sadd.s32 s2, s16  }
0x6: {  	[smem:$0x3FC5] =	sst s2  }
0x7: {  	_ = 	snop  }
0x8: {  	s2 =	sld [smem:$0x3FD0];
	_ =	sdelay $0x2  }
0x9: {  	s17 =	simm.s32 $0xB;
	s4 =	simm.s32 $0x10  }
0xa: {  	[smem:s4], [sflag:s17] =	dma.local [hbm:s2], $0x1  }
0xb: {  	_ =	swait.eq [sflag:s17], $0x1  }
0xc: {  	[sflag:s17] =	ssyncset.done $0x0  }
0xd: {  	[sflag:s17] =	ssyncadd.s32 $0xFFFFFFFF  }
0xe: {  	s18 =	sld [smem:$0x11];
	(tm) =	ssettm $0x1  }
0xf: {  	s19 =	sld [smem:$0x3FFB];
	_ =	sdelay $0x3  }
0x10: {  	_ =	strace s19  }
0x11: {  	s2 =	sld [smem:$0x3FFC];
	_ =	sdelay $0x3  }
0x12: {  	_ =	strace s2  }
0x13: {  	s2 =	sld [smem:$0x3FFD];
	_ =	sdelay $0x3  }
0x14: {  	_ =	strace s2  }
0x15: {  	_ =	strace $0x8FFFFFFF  }
0x16: {  	s20 =	sld [smem:$0x3FDB];
	_ =	sdelay $0x1  }
0x17: {  	s21 =	simm.s32 $_scs_section_size  }
0x18: {  	s5 =	simm.s32 $_size__tile_overlayer_lowered;
	s6 =	simm.s32 $_tile_overlayer_lowered  }
0x19: {  	s7 =	simm.s32 $0x1BFF;
	s22 =	sshll.u32 s6, $0x1;
	s4 =	sadd.s32 s21, s20  }
0x1a: {  	s23 =	simm.s32 $0x0;
	s5 =	sshll.u32 s5, $0x1;
	s6 =	sadd.s32 s22, s4  }
0x1b: {  	[timem:s23], [sflag:s7] =	dma.local [hbm:s6], s5  }
0x1c: {  	_ =	swait.ge [sflag:s7], s5  }
0x1d: {  	s5 =	ssub.s32 $0x0, s5;
	[sflag:s7] =	ssyncset.done $0x0  }
0x1e: {  	[sflag:s7] =	ssyncadd.s32 s5;
	_ =	sdelay $0x1  }
0x1f: {  	s24 =	simm.s32 $0x1B8B  }
0x20: {  	_ =	swait.ge [sflag:s24], $0x1  }
0x21: {  	[sflag:s24] =	ssyncset.done $0x0  }
0x22: {  	[sflag:s24] =	ssyncadd.s32 $0xFFFFFFFF  }
0x23: {  	s5 =	sld [smem:$0x0]  }
0x24: {  	s6 =	sand.u32 $0xFFFFFFFE, s1  }
0x25: {  	p0 =	sne.s32 s1, s6  }
0x26: {  	s6 =	sshll.u32 @p0 s6, $0xE  }
0x27: {  	s6 =	sadd.s32 @p0 $0x11B8D, s6;
	s7 =	sshll.u32 @p0 s5, $0x11  }
0x28: {  	s6 =	sor.u32 @p0 s7, s6  }
0x29: {  	[sflag:s6] =	ssyncadd.remote.s32 @p0 $0x1;
	_ =	sdelay $0x1  }
0x2a: {  	s6 =	simm.s32 @p0 $0x1B8D  }
0x2b: {  	_ =	swait.eq @p0 [sflag:s6], $0x1  }
0x2c: {  	[sflag:s6] =	ssyncadd.s32 @p0 $0xFFFFFFFF  }
0x2d: {  	s7 =	sshll.u32 @!p0 s1, $0xE  }
0x2e: {  	s7 =	sor.u32 @!p0 $0x4000, s7;
	s6 =	simm.s32 @!p0 $0x1B8D  }
0x2f: {  	s5 =	sshll.u32 @!p0 s5, $0x11;
	s7 =	sadd.s32 @!p0 $0x11B8D, s7;
	_ =	swait.eq @!p0 [sflag:s6], $0x1  }
0x30: {  	s5 =	sor.u32 @!p0 s5, s7;
	[sflag:s6] =	ssyncadd.s32 @!p0 $0xFFFFFFFF  }
0x31: {  	s26 =	simm.s32 $0x1B8E;
	s25 =	sld [smem:$0x3FFE];
	[sflag:s5] =	ssyncadd.remote.s32 @!p0 $0x1  }
0x32: {  	s27 =	simm.s32 $execute0_lowered;
	[smem:$0x3FD2] =	sst s26  }
0x33: {  	s6 =	sshll.u32 s27, $0x1;
	_ =	strace $0x8000004F;
	[dreg:$0x1] =	wrdreg $0xFFFFFFFF  }
0x34: {  	s28 =	simm.s32 $_size_execute0_lowered;
	s4 =	sadd.s32 s4, s6;
	[dreg:$0x0] =	wrdreg $0x0  }
0x35: {  	s6 =	sshll.u32 s28, $0x1;
	[dreg:$0x2] =	wrdreg s4  }
0x36: {  	[dreg:$0x3] =	wrdreg s6  }
0x37: {  	[dreg:$0x4] =	wrdreg $0xC0  }
0x38: {  	_ =	task [dreg:s23], $0x5FFFF  }
0x39: {  	[dreg:$0x1] =	wrdreg $0xFFFFFFFF  }
0x3a: {  	[dreg:$0x0] =	wrdreg $0x60  }
0x3b: {  	[dreg:$0x2] =	wrdreg s25  }
0x3c: {  	[dreg:$0x3] =	wrdreg s18  }
0x3d: {  	[dreg:$0x4] =	wrdreg $0x9  }
0x3e: {  	_ =	task.clear_ibuf [dreg:s23], $0x5FFFF;
	_ =	strace $0x9000004F  }
0x3f: {  	s29 =	simm.s32 $0x9;
	_ =	strace $0x80000051  }
0x40: {  	_ =	swait.ge [sflag:s29], $0x1  }
0x41: {  	[sflag:s29] =	ssyncadd.s32 $0xFFFFFFFF  }
0x42: {  	_ =	strace $0x90000051  }
0x43: {  	_ =	sfence  }
0x44: {  	s30 =	sld [smem:$0x0];
	_ =	sdelay $0x2  }
0x45: {  	s31 =	sshll.u32 s1, $0xD;
	s1 =	sshrl.u32 s1, $0x2  }
0x46: {  	s4 =	sand.u32 $0x4000, s31;
	s1 =	sadd.s32 s1, s30  }
0x47: {  	s0 =	sor.u32 s4, s0;
	s1 =	sshll.u32 s1, $0x11  }
0x48: {  	s0 =	sor.u32 s1, s0  }
0x49: {  	s0 =	sadd.s32 $0x8F2B, s0  }
0x4a: {  	[sflag:s0] =	ssyncadd.remote.s32 $0x1  }
0x4b: {  	_ =	sfence.sel $0xFFFF  }
0x4c: {  	[dreg:$0x0] =	wrdreg $0xFFFFFFFF;
	(pc) =	sbr.abs _section_cstart, $3  }
0x4d: {  	[dreg:$0x1] =	wrdreg $0xFFFFFFFF  }
0x4e: {  	_ =	task.clear_ibuf [dreg:s23], $0x2FFFF;
	_ =	strace $0x9FFFFFFF  }
0x4f: {  	(tm) =	ssettm $0x7FFFFFFF  }
tec
execute0_lowered:
.L_overlay_start_1:
0x0: {  	(tag) =	ssettag $0x1  }
0x1: {  	s0 =	srdreg.scid  }
0x2: {  	s1 =	sshll.u32 s0, $0x4  }
0x3: {  	s5 =	rddreg [dreg:$0x0];
	s0 =	stileid.u32;
	s1 =	sand.u32 $0x10, s1  }
0x4: {  	s3 =	rddreg [dreg:$0x1];
	s31 =	simm.s32 $0x2;
	s4 =	sor.u32 s0, s1  }
0x5: {  	s13 =	simm.s32 $0x0;
	s9 =	simm.s32 $0x400;
	s2 =	sshll.u32 s4, $0x7  }
0x6: {  	s10 =	simm.s32 $0x8000;
	s14 =	simm.s32 $0x0;
	s6 =	ssub.s32 $0x1000, s2  }
0x7: {  	s1 =	rddreg [dreg:$0x2];
	_ =	strace $0x80000050;
	s7 =	sand.u32 $0xF80, s6  }
0x8: {  	s4 =	sshll.u32 s4, $0xB;
	p0 =	sne.s32 s7, $0x0;
	s7 =	simm.s32 $0x1  }
.Ltmp0:
0x9: {  	s6 =	sshrl.u32 s6, $0xC;
	s7 =	simm.s32 @!p0 $0x0;
	(pc) =	sbr.rel .LBB1_1-.Ltmp0, $4  }
0xa: {  	s8 =	sadd.s32 s4, s5;
	s4 =	simm.s32 $0x1;
	s30 =	sadd.s32 s7, s6  }
0xb: {  	s11 =	simm.s32 $0x0;
	[sflag:s4] =	ssyncpa.u1 $0x0;
	s5 =	smul.u32 $0x19, s30  }
0xc: {  	s12 =	simm.s32 $0x0;
	[sflag:s31] =	ssyncpa.u1 $0x0;
	p0 =	por $0x0, $0x0  }
0xd: {  	s6 =	sadd.s32 $0x321C00, s8;
	s7 =	sadd.s32 $0x331C00, s8;
	s8 =	sadd.s32 $0x1, s5  }
.LBB1_7:
0xe: {  	s15 =	sadd.s32 $0x2, s11  }
0xf: {  	p2 =	sgt.s32 s15, $0x31  }
0x10: {  	s15 =	simm.s32 @p2 $0x0;
	p2 =	sne.s32 s12, s8  }
.Ltmp1:
0x11: {  	p1 =	slt.u32 s12, $0x2;
	(pc) =	sbr.rel @!p2 .LBB1_8-.Ltmp1, $4  }
0x12: {  	s13 =	simm.s32 @!p1 $0x2  }
0x13: {  	s16 =	sadd.s32 $0x1, s12;
	s14 =	smov.u32 s11;
	_ =	swait.ge @!p1 [sflag:s13], $0x4000  }
0x14: {  	p0 =	por !p0, !p0;
	s12 =	smov.u32 s16;
	[sflag:s13] =	ssyncset.done @!p1 $0x0  }
0x15: {  	s11 =	smov.u32 s15;
	[sflag:s13] =	ssyncadd.s32 @!p1 $0xFFFFC000;
	s13 =	smov.u32 s2  }
.LBB1_1:
0x16: {  	p1 =	sge.u32 s12, s5  }
0x17: {  	s15 =	sxor.u32 @!p1 $0xFFFFFFFF, s12  }
0x18: {  	s16 =	sshll.u32 @!p1 s11, $0x10;
	s18 =	simm.s32 @!p1 $0x40;
	s15 =	sshll.u32 @!p1 s15, $0xE  }
0x19: {  	s19 =	simm.s32 @!p1 $0x80;
	s17 =	sadd.s32 @!p1 s16, s6;
	s15 =	sand.u32 @!p1 $0x4000, s15  }
0x1a: {  	[tilespmem:s15], [sflag:$0x1] =	stream.strided.gather @!p1 [hbm4b:s17+s18], $0x2000, s19, s18, $0x38;
	[tilespmem:$0x10100] =	vst v63  }
0x1b: {  	s31 =	sadd.s32 $0xFFFFFFFF, s12;
	s16 =	sadd.s32 @!p1 s16, s7;
	s15 =	sor.u32 @!p1 $0x2000, s15  }
0x1c: {  	[tilespmem:s15], [sflag:$0x1] =	stream.strided.gather @!p1 [hbm4b:s16+s18], $0x2000, s19, s18, $0x38;
	[tilespmem:$0x10100] =	vst v63  }
0x1d: {  	p1 =	sge.u32 s31, s5  }
.Ltmp2:
0x1e: {  	_ = 	snop;
	(pc) =	sbr.rel @p1 .LBB1_7-.Ltmp2, $1  }
0x1f: {  	_ =	sdelay $0x3  }
0x20: {  	s15 =	simm.s32 $0x1;
	s17 =	sand.u32 $0x1, s12  }
0x21: {  	_ =	swait.ge [sflag:s4], $0x4000;
	s15 =	simm.s32 @!p0 $0x0;
	s17 =	smul.u32 $0x10200, s17  }
0x22: {  	p2 =	por $0x1, $0x1;
	[sflag:s4] =	ssyncset.done $0x0;
	s16 =	smul.u32 $0x10200, s15  }
0x23: {  	s18 =	sshll.u32 s15, $0x10;
	[sflag:s4] =	ssyncadd.s32 $0xFFFFC000;
	s30 =	sshrl.u32 s17, $0x2  }
0x24: {  	s31 =	sshrl.u32 s18, $0x2;
	s18 =	simm.s32 $0x0;
	s16 =	sshrl.u32 s16, $0x2  }
0x25: {  	s15 =	sor.u32 $0x8000, s30;
	s17 =	sadd.s32 $0x20, s31;
	s16 =	sor.u32 $0x8000, s16  }
.LBB1_3:
0x26: {  	s19 =	sshll.u32 s18, $0xD  }
0x27: {  	s19 =	sand.u32 $0x3FFFE000, s19  }
0x28: {  	s21 =	sadd.s32 s19, s17  }
0x29: {  	s31 =	smul.u32 $0x8100, s18;
	v3 =	vld [tilespmem:s21+$0x10]  }
0x2a: {  	v1 =	vld [tilespmem:s21+$0xFFFFFFF0]  }
0x2b: {  	s18 =	sshra.s32 s31, $0x2;
	v0 =	vld [tilespmem:s21+$0x0]  }
0x2c: {  	s18 =	sadd.s32 s18, s16;
	v2 =	vld [tilespmem:s21+$0xFFFFFFE0]  }
0x2d: {  	s19 =	sadd.s32 $0x0, s18  }
0x2e: {  	p1 =	por p2, p2;
	s20 =	simm.s32 $0x4;
	s21 =	sadd.s32 $0x40, s21;
	[tilespmem:s19+$0x1830 ss:$0x81] =	vst.msk $0xffff, v3  }
.LBB1_4:
0x2f: {  	v3 =	vld [tilespmem:s21+$0x10];
	p2 =	sne.s32 s20, $0x1FC;
	[tilespmem:s19+$0x810 ss:$0x81] =	vst.msk $0xffff, v1;
	s22 =	smov.u32 s20;
	s20 =	sadd.s32 $0x4, s20  }
.Ltmp3:
0x30: {  	v1 =	vld [tilespmem:s21+$0xFFFFFFF0];
	[tilespmem:s19+$0x1020 ss:$0x81] =	vst.msk $0xffff, v0;
	(pc) =	sbr.rel @p2 .LBB1_4-.Ltmp3, $4  }
0x31: {  	v0 =	vld [tilespmem:s21+$0x0];
	[tilespmem:s19+$0x0 ss:$0x81] =	vst.msk $0xffff, v2  }
0x32: {  	s19 =	sshra.s32 s22, $0x2;
	v2 =	vld [tilespmem:s21+$0xFFFFFFE0]  }
0x33: {  	s19 =	sadd.s32 s19, s18  }
0x34: {  	s21 =	sadd.s32 $0x40, s21;
	[tilespmem:s19+$0x1830 ss:$0x81] =	vst.msk $0xffff, v3  }
.Ltmp4:
0x35: {  	(pc) =	sbr.rel @p1 .LBB1_3-.Ltmp4, $4  }
0x36: {  	_ = 	snop  }
0x37: {  	[tilespmem:s19+$0x810 ss:$0x81] =	vst.msk $0xffff, v1  }
0x38: {  	[tilespmem:s19+$0x1020 ss:$0x81] =	vst.msk $0xffff, v0  }
0x39: {  	s18 =	simm.s32 $0x1;
	p2 =	por $0x0, $0x0;
	[tilespmem:s19+$0x0 ss:$0x81] =	vst.msk $0xffff, v2  }
.Ltmp5:
0x3a: {  	(pc) =	sbr.rel .LBB1_7-.Ltmp5, $4  }
0x3b: {  	s14 =	sshll.u32 s14, $0xF  }
0x3c: {  	s14 =	sadd.s32 s3, s14  }
0x3d: {  	s13 =	sadd.s32 s13, s14  }
0x3e: {  	[hbm4b:s13+s9] =	stream.strided.scatter [tilespmem:s15], [sflag:$0x2], $0x4000, s10, s9, $0x20;
	[tilespmem:$0x10100] =	vst v63  }
.LBB1_8:
0x3f: {  	_ =	sfence.sel $0x180000  }
0x40: {  	s2 =	simm.s32 $0x1;
	[bflag:$0x0] =	sbarrier.arrive $0xFFFF  }
0x41: {  	s31 =	simm.s32 $0x2;
	[sflag:s2] =	ssyncpa.u1 $0x1  }
0x42: {  	[sflag:s31] =	ssyncpa.u1 $0x1  }
0x43: {  	p0 =	sne.s32 s0, $0x0;
	_ =	strace $0x90000050  }
0x44: {  	s0 =	sadd.s32 @!p0 $0x100000, s1;
	[bflag:$0x2] =	sbarrier.arrive $0xFFFF  }
0x45: {  	[sflag:s0] =	ssyncadd.tile.s32 @!p0 $0x1;
	_ =	shalt  }
.Lfunc_end1:
_tile_overlayer_lowered:
.L_overlay_start_2:
0x46: {  	(tag) =	ssettag $0x2  }
0x47: {  	s0 =	rddreg [dreg:$0x0];
	s2 =	stileid.u32  }
0x48: {  	s1 =	rddreg [dreg:$0x1];
	p0 =	sne.s32 s2, $0x0  }
0x49: {  	s3 =	rddreg [dreg:$0x2];
	[bflag:$0x3] =	sbarrier.arrive $0xFFFF;
	s2 =	simm.s32 @!p0 $0x1C01  }
0x4a: {  	[timem:s3], [sflag:s2] =	dma.local @!p0 [hbm:s0], s1  }
0x4b: {  	s0 =	simm.s32 @!p0 $0x1  }
0x4c: {  	_ =	swait.ge @!p0 [sflag:s0], s1  }
0x4d: {  	s1 =	ssub.s32 @!p0 $0x0, s1;
	[sflag:s0] =	ssyncset.done @!p0 $0x0  }
0x4e: {  	[sflag:s0] =	ssyncadd.s32 @!p0 s1  }
0x4f: {  	[bflag:$0x3] =	sbarrier.arrive $0xFFFF  }
0x50: {  	_ =	shalt  }

</sc_bundles>
